<compile_context>
chip_gen: v7x
topology: tpu7x:2x2x1
jax: 0.10.2.dev20260603
libtpu: 0.0.44.dev20260713+nightly
codegen_flags: <defaults>
</compile_context>

<pallas_src>
import numpy as np
import jax
import jax.numpy as jnp
from jax import lax
from jax.experimental import pallas as pl
from jax.experimental.pallas import tpu as pltpu
from jax.experimental.pallas import tpu_sc as plsc


def _pe_table_np(d_model: int = 384, n_pos: int = 16) -> np.ndarray:
    half = d_model // 2
    i = np.arange(half, dtype=np.float64)
    inv_freq = np.exp(-np.log(10000.0) * (2.0 * i / d_model))
    pos = np.arange(n_pos, dtype=np.float64)
    ang = pos[:, None] * inv_freq[None, :]
    return np.concatenate([np.sin(ang), np.cos(ang)], axis=1).astype(np.float32)


_PE_TABLE = _pe_table_np()

_PAD = 24
_SPAN = 1024


def _sc_pos_body(seg_hbm, dur_hbm, pos_hbm, seg_buf, idx_buf, dur_g, pos_buf,
                 sem):
    wid = lax.axis_index("s") + lax.axis_index("c")
    b = wid // 2
    t0 = (wid % 2) * _SPAN
    base = b * 2048 + t0

    @pl.when(t0 > 0)
    def _():
        pltpu.sync_copy(seg_hbm.at[pl.ds(base - _PAD, _SPAN + _PAD)], seg_buf)

    @pl.when(t0 == 0)
    def _():
        pltpu.sync_copy(seg_hbm.at[pl.ds(base, _SPAN)],
                        seg_buf.at[pl.ds(_PAD, _SPAN)])
        seg_buf[pl.ds(8, 16)] = jnp.full((16,), -1, jnp.int32)

    def idx_body(i, _):
        idx_buf[pl.ds(i * 16, 16)] = seg_buf[pl.ds(_PAD + i * 16, 16)] + b * 256
        return 0

    lax.fori_loop(0, _SPAN // 16, idx_body, 0)

    copies = [
        pltpu.make_async_copy(
            dur_hbm.at[idx_buf.at[pl.ds(c * 128, 128)]],
            dur_g.at[pl.ds(c * 128, 128)],
            sem,
        )
        for c in range(_SPAN // 128)
    ]
    for cp in copies:
        cp.start()

    def body(i, _):
        off = _PAD + i * 16
        sv = seg_buf[pl.ds(off, 16)]
        pos = jnp.full((16,), 15, jnp.int32)
        for j in range(1, 16):
            d = seg_buf[pl.ds(off - j, 16)] - sv
            pos = pos + lax.shift_right_arithmetic(d | (-d), 31)
        pos_buf[pl.ds(i * 16, 16)] = pos
        return 0

    lax.fori_loop(0, _SPAN // 16, body, 0)

    for cp in copies:
        cp.wait()

    def clip_body(i, _):
        sl = pl.ds(i * 16, 16)
        pos_buf[sl] = jnp.minimum(pos_buf[sl], dur_g[sl])
        return 0

    lax.fori_loop(0, _SPAN // 16, clip_body, 0)
    pltpu.sync_copy(pos_buf, pos_hbm.at[pl.ds(base, _SPAN)])


def _sc_positions(seg_flat, dur_flat, B, T):
    mesh = plsc.VectorSubcoreMesh(core_axis_name="c", subcore_axis_name="s",
                                  num_cores=1)
    return pl.kernel(
        _sc_pos_body,
        out_type=jax.ShapeDtypeStruct((B * T,), jnp.int32),
        mesh=mesh,
        scratch_types=[
            pltpu.VMEM((_SPAN + _PAD,), jnp.int32),
            pltpu.VMEM((_SPAN,), jnp.int32),
            pltpu.VMEM((_SPAN,), jnp.int32),
            pltpu.VMEM((_SPAN,), jnp.int32),
            pltpu.SemaphoreType.DMA,
        ],
    )(seg_flat, dur_flat)


def _tc_body(ph_ref, words_ref, seg_ref, pos_ref, pe_ref, out_ref):
    seg_row = seg_ref[0]
    pos_row = pos_ref[0]
    T = seg_row.shape[1]
    Wn = words_ref.shape[1]

    w_iota = lax.broadcasted_iota(jnp.int32, (Wn, T), 0)
    ohb = (jnp.broadcast_to(seg_row, (Wn, T)) == w_iota).astype(jnp.bfloat16)
    word_feat = lax.dot_general(
        ohb, words_ref[0].astype(jnp.bfloat16),
        (((0,), (0,)), ((), ())), preferred_element_type=jnp.float32)

    p_iota = lax.broadcasted_iota(jnp.int32, (16, T), 0)
    ohp = (jnp.broadcast_to(pos_row, (16, T)) == p_iota).astype(jnp.float32)
    pe = lax.dot_general(
        ohp, pe_ref[...],
        (((0,), (0,)), ((), ())), preferred_element_type=jnp.float32)
    out_ref[0] = ph_ref[0] + word_feat + pe


def kernel(phonemes, words, word_boundries, word_durations):
    B, T, D = phonemes.shape
    Wn = words.shape[1]
    seg = word_boundries.astype(jnp.int32)
    dur = word_durations.astype(jnp.int32)

    pos = _sc_positions(seg.reshape(-1), dur.reshape(-1), B, T)

    pe = jnp.asarray(_PE_TABLE)
    return pl.pallas_call(
        _tc_body,
        grid=(B,),
        in_specs=[
            pl.BlockSpec((1, T, D), lambda b: (b, 0, 0)),
            pl.BlockSpec((1, Wn, D), lambda b: (b, 0, 0)),
            pl.BlockSpec((1, 1, T), lambda b: (b, 0, 0)),
            pl.BlockSpec((1, 1, T), lambda b: (b, 0, 0)),
            pl.BlockSpec((16, D), lambda b: (0, 0)),
        ],
        out_specs=pl.BlockSpec((1, T, D), lambda b: (b, 0, 0)),
        out_shape=jax.ShapeDtypeStruct((B, T, D), jnp.float32),
    )(phonemes, words, seg.reshape(B, 1, T), pos.reshape(B, 1, T), pe)

# --- scband reference (transcript-rebuilt; emitter-appended) ---
"""Pipeline reference for scband-porta-speech-positional-encoding-82549271429565 (READ-ONLY COPY).

The authoritative reference and input builder live on the scoring server;
editing this copy changes nothing except your own understanding.
"""

import jax, jax.numpy as jnp
import numpy as np


def _sinusoidal_pe(pos, d_model):
    half = d_model // 2
    i = jnp.arange(half, dtype=jnp.float32)
    inv_freq = jnp.exp(-jnp.log(10000.0) * (2.0 * i / d_model))
    ang = pos[..., None].astype(jnp.float32) * inv_freq
    return jnp.concatenate([jnp.sin(ang), jnp.cos(ang)], axis=-1)


def setup_inputs(seed: int = 0) -> dict:
    key = jax.random.key(seed)
    k1, k2, k3, k4 = jax.random.split(key, 4)
    phonemes = jax.random.normal(k1, (8, 2048, 384), dtype=jnp.float32)
    words = jax.random.normal(k2, (8, 256, 384), dtype=jnp.float32)
    word_boundries = jnp.sort(jax.random.randint(k3, (8, 2048), 0, 256, dtype=jnp.int64), axis=-1)
    word_durations = jax.random.randint(k4, (8, 256), 0, 16, dtype=jnp.int64)
    return {
        "phonemes": phonemes,
        "words": words,
        "word_boundries": word_boundries,
        "word_durations": word_durations,
    }


def reference(phonemes, words, word_boundries, word_durations):
    # Word-level relative positional encoding (PortaSpeech): phoneme positions
    # reset at each word boundary; word-level features are gathered per token.
    B, T, D = phonemes.shape
    Wn = words.shape[1]
    t = jnp.arange(T, dtype=jnp.int64)

    def per_batch(ph, wd, seg, dur):
        # start index of each word segment (segment ids are sorted per batch)
        starts = jax.ops.segment_min(t, seg, num_segments=Wn)
        pos = t - starts[seg]                      # within-word position
        pos = jnp.minimum(pos, dur[seg])           # clip by word duration
        pe = _sinusoidal_pe(pos, D)                # sinusoidal PE, resets per word
        word_feat = wd[seg]                        # gather word hidden per phoneme
        return ph + pe + word_feat

    out = jax.vmap(per_batch)(phonemes, words, word_boundries, word_durations)
    return out

if __name__ == "__main__":
    import jax
    _d = setup_inputs()
    print(jax.jit(kernel)(*tuple(_d.values())))

</pallas_src>

<mosaic_0001>
#map = affine_map<(d0, d1) -> (0)>
module attributes {stable_mosaic.version = 14 : i64} {
  func.func @_sc_pos_body(%arg0: i32, %arg1: i32, %arg2: memref<16384xi32, #tpu.memory_space<hbm>>, %arg3: memref<2048xi32, #tpu.memory_space<hbm>>, %arg4: memref<16384xi32, #tpu.memory_space<hbm>>, %arg5: memref<1048xi32, #tpu.memory_space<vmem>>, %arg6: memref<1024xi32, #tpu.memory_space<vmem>>, %arg7: memref<1024xi32, #tpu.memory_space<vmem>>, %arg8: memref<1024xi32, #tpu.memory_space<vmem>>, %arg9: memref<!tpu.dma_semaphore, #tpu.memory_space<semaphore_mem>>) attributes {dimension_semantics = [#tpu.dimension_semantics<core_parallel>, #tpu.dimension_semantics<subcore_parallel>], iteration_bounds = array<i64: 1, 16>, scalar_prefetch = 0 : i64, scratch_operands = 5 : i64, tpu.core_type = #tpu.core_type<sc_vector_subcore>, window_params = [{transform_indices = #map}, {transform_indices = #map}, {transform_indices = #map}]} {
    %add3A = arith.addi %arg1, %arg0 : i32
    %jit3A = arith.constant 2 : i32
    %div3A = arith.divsi %add3A, %jit3A : i32
    %sign3A = arith.constant 0 : i32
    %sign3A_0 = arith.cmpi sgt, %add3A, %sign3A : i32
    %sign3A_1 = arith.extui %sign3A_0 : i1 to i32
    %sign3A_2 = arith.constant 0 : i32
    %sign3A_3 = arith.cmpi slt, %add3A, %sign3A_2 : i32
    %sign3A_4 = arith.extui %sign3A_3 : i1 to i32
    %sign3A_5 = arith.subi %sign3A_1, %sign3A_4 : i32
    %sign3A_6 = arith.constant 0 : i32
    %sign3A_7 = arith.cmpi sgt, %jit3A, %sign3A_6 : i32
    %sign3A_8 = arith.extui %sign3A_7 : i1 to i32
    %sign3A_9 = arith.constant 0 : i32
    %sign3A_10 = arith.cmpi slt, %jit3A, %sign3A_9 : i32
    %sign3A_11 = arith.extui %sign3A_10 : i1 to i32
    %sign3A_12 = arith.subi %sign3A_8, %sign3A_11 : i32
    %ne3A = arith.cmpi ne, %sign3A_5, %sign3A_12 : i32
    %rem3A = arith.remsi %add3A, %jit3A : i32
    %ne3A_13 = arith.constant 0 : i32
    %ne3A_14 = arith.cmpi ne, %rem3A, %ne3A_13 : i32
    %and3A = arith.andi %ne3A, %ne3A_14 : i1
    %sub3A = arith.constant 1 : i32
    %sub3A_15 = arith.subi %div3A, %sub3A : i32
    %select_n3A = arith.select %and3A, %sub3A_15, %div3A : i32
    %jit3A_16 = arith.constant 2 : i32
    %eq3A = arith.constant 0 : i32
    %eq3A_17 = arith.cmpi eq, %jit3A_16, %eq3A : i32
    %jit3A_18 = arith.constant 1 : i32
    %select_n3A_19 = arith.select %eq3A_17, %jit3A_18, %jit3A_16 : i32
    %rem3A_20 = arith.remsi %add3A, %select_n3A_19 : i32
    %ne3A_21 = arith.constant 0 : i32
    %ne3A_22 = arith.cmpi ne, %rem3A_20, %ne3A_21 : i32
    %lt3A = arith.constant 0 : i32
    %lt3A_23 = arith.cmpi slt, %rem3A_20, %lt3A : i32
    %lt3A_24 = arith.constant 0 : i32
    %lt3A_25 = arith.cmpi slt, %select_n3A_19, %lt3A_24 : i32
    %ne3A_26 = arith.xori %lt3A_23, %lt3A_25 : i1
    %and3A_27 = arith.andi %ne3A_26, %ne3A_22 : i1
    %add3A_28 = arith.addi %rem3A_20, %select_n3A_19 : i32
    %select_n3A_29 = arith.select %and3A_27, %add3A_28, %rem3A_20 : i32
    %mul3A = arith.constant 1024 : i32
    %mul3A_30 = arith.muli %select_n3A_29, %mul3A : i32
    %mul3A_31 = arith.constant 2048 : i32
    %mul3A_32 = arith.muli %select_n3A, %mul3A_31 : i32
    %add3A_33 = arith.addi %mul3A_32, %mul3A_30 : i32
    %gt3A = arith.constant 0 : i32
    %gt3A_34 = arith.cmpi sgt, %mul3A_30, %gt3A : i32
    %convert_element_type3A = arith.extui %gt3A_34 : i1 to i32
    %cond3A = arith.constant 0 : i32
    %cond3A_35 = arith.cmpi ne, %convert_element_type3A, %cond3A : i32
    scf.if %cond3A_35 {
      %sub3A_155 = arith.constant 24 : i32
      %sub3A_156 = arith.subi %add3A_33, %sub3A_155 : i32
      "tpu.region"() ({
        %run_scoped3A = tpu.sem_alloc : memref<!tpu.dma_semaphore, #tpu.memory_space<semaphore_mem>>
        %dma_start3A_157 = tpu.memref_slice %arg2[%sub3A_156] : memref<16384xi32, #tpu.memory_space<hbm>> -> memref<1048xi32, #tpu.memory_space<hbm>>
        %dma_start3A_158 = tpu.memref_slice %arg2[%sub3A_156] : memref<16384xi32, #tpu.memory_space<hbm>> -> memref<1048xi32, #tpu.memory_space<hbm>>
        tpu.enqueue_dma source(%dma_start3A_158 : memref<1048xi32, #tpu.memory_space<hbm>>) target(%arg5 : memref<1048xi32, #tpu.memory_space<vmem>>) target_semaphore(%run_scoped3A : memref<!tpu.dma_semaphore, #tpu.memory_space<semaphore_mem>>)
        %dma_wait3A_159 = tpu.memref_slice %arg2[%sub3A_156] : memref<16384xi32, #tpu.memory_space<hbm>> -> memref<1048xi32, #tpu.memory_space<hbm>>
        %dma_wait3A_160 = tpu.memref_slice %arg2[%sub3A_156] : memref<16384xi32, #tpu.memory_space<hbm>> -> memref<1048xi32, #tpu.memory_space<hbm>>
        tpu.wait_dma2 semaphore(%run_scoped3A : memref<!tpu.dma_semaphore, #tpu.memory_space<semaphore_mem>>) src(%dma_wait3A_160 : memref<1048xi32, #tpu.memory_space<hbm>>) dst(%arg5 : memref<1048xi32, #tpu.memory_space<vmem>>)
        tpu.yield
      }) : () -> ()
    } else {
    }
    %eq3A_36 = arith.constant 0 : i32
    %eq3A_37 = arith.cmpi eq, %mul3A_30, %eq3A_36 : i32
    %convert_element_type3A_38 = arith.extui %eq3A_37 : i1 to i32
    %cond3A_39 = arith.constant 0 : i32
    %cond3A_40 = arith.cmpi ne, %convert_element_type3A_38, %cond3A_39 : i32
    scf.if %cond3A_40 {
      "tpu.region"() ({
        %run_scoped3A = tpu.sem_alloc : memref<!tpu.dma_semaphore, #tpu.memory_space<semaphore_mem>>
        %dma_start3A_159 = arith.constant 24 : i32
        %dma_start3A_160 = tpu.memref_slice %arg5[%dma_start3A_159] : memref<1048xi32, #tpu.memory_space<vmem>> -> memref<1024xi32, #tpu.memory_space<vmem>>
        %dma_start3A_161 = tpu.memref_slice %arg2[%add3A_33] : memref<16384xi32, #tpu.memory_space<hbm>> -> memref<1024xi32, #tpu.memory_space<hbm>>
        %dma_start3A_162 = arith.constant 24 : i32
        %dma_start3A_163 = tpu.memref_slice %arg5[%dma_start3A_162] : memref<1048xi32, #tpu.memory_space<vmem>> -> memref<1024xi32, #tpu.memory_space<vmem>>
        %dma_start3A_164 = tpu.memref_slice %arg2[%add3A_33] : memref<16384xi32, #tpu.memory_space<hbm>> -> memref<1024xi32, #tpu.memory_space<hbm>>
        tpu.enqueue_dma source(%dma_start3A_164 : memref<1024xi32, #tpu.memory_space<hbm>>) target(%dma_start3A_163 : memref<1024xi32, #tpu.memory_space<vmem>>) target_semaphore(%run_scoped3A : memref<!tpu.dma_semaphore, #tpu.memory_space<semaphore_mem>>)
        %dma_wait3A_165 = arith.constant 24 : i32
        %dma_wait3A_166 = tpu.memref_slice %arg5[%dma_wait3A_165] : memref<1048xi32, #tpu.memory_space<vmem>> -> memref<1024xi32, #tpu.memory_space<vmem>>
        %dma_wait3A_167 = tpu.memref_slice %arg2[%add3A_33] : memref<16384xi32, #tpu.memory_space<hbm>> -> memref<1024xi32, #tpu.memory_space<hbm>>
        %dma_wait3A_168 = arith.constant 24 : i32
        %dma_wait3A_169 = tpu.memref_slice %arg5[%dma_wait3A_168] : memref<1048xi32, #tpu.memory_space<vmem>> -> memref<1024xi32, #tpu.memory_space<vmem>>
        %dma_wait3A_170 = tpu.memref_slice %arg2[%add3A_33] : memref<16384xi32, #tpu.memory_space<hbm>> -> memref<1024xi32, #tpu.memory_space<hbm>>
        tpu.wait_dma2 semaphore(%run_scoped3A : memref<!tpu.dma_semaphore, #tpu.memory_space<semaphore_mem>>) src(%dma_wait3A_170 : memref<1024xi32, #tpu.memory_space<hbm>>) dst(%dma_wait3A_169 : memref<1024xi32, #tpu.memory_space<vmem>>)
        tpu.yield
      }) : () -> ()
      %broadcast_in_dim3A = arith.constant -1 : i32
      %broadcast_in_dim3A_155 = vector.broadcast %broadcast_in_dim3A : i32 to vector<16xi32>
      %swap3A = arith.constant 8 : index
      %swap3A_156 = tpu.vector_load %arg5[%swap3A] {strides = array<i32>} : memref<1048xi32, #tpu.memory_space<vmem>>, vector<16xi32>,
      %swap3A_157 = vector.shape_cast %swap3A_156 : vector<16xi32> to vector<16xi32>
      %swap3A_158 = vector.shape_cast %broadcast_in_dim3A_155 : vector<16xi32> to vector<16xi32>
      tpu.vector_store %arg5[%swap3A], %swap3A_158 {strides = array<i32>} : memref<1048xi32, #tpu.memory_space<vmem>>, vector<16xi32>,
    } else {
    }
    %scan3A = arith.constant 0 : i32
    %scan3A_41 = arith.constant 0 : i32
    %scan3A_42 = arith.constant 64 : i32
    %scan3A_43 = arith.addi %scan3A_41, %scan3A_42 : i32
    %scan3A_44 = arith.constant 1 : i32
    %scan3A_45 = scf.for %scan3A_155 = %scan3A_41 to %scan3A_43 step %scan3A_44 iter_args(%scan3A_156 = %scan3A) -> (i32)  : i32 {
      %mul3A_157 = arith.constant 16 : i32
      %mul3A_158 = arith.muli %scan3A_155, %mul3A_157 : i32
      %add3A_159 = arith.constant 24 : i32
      %add3A_160 = arith.addi %add3A_159, %mul3A_158 : i32
      %get3A = arith.index_cast %add3A_160 : i32 to index
      %get3A_161 = tpu.vector_load %arg5[%get3A] {strides = array<i32>} : memref<1048xi32, #tpu.memory_space<vmem>>, vector<16xi32>,
      %get3A_162 = vector.shape_cast %get3A_161 : vector<16xi32> to vector<16xi32>
      %mul3A_163 = arith.constant 256 : i32
      %mul3A_164 = arith.muli %select_n3A, %mul3A_163 : i32
      %add3A_165 = vector.broadcast %mul3A_164 : i32 to vector<16xi32>
      %add3A_166 = arith.addi %get3A_162, %add3A_165 : vector<16xi32>
      %mul3A_167 = arith.constant 16 : i32
      %mul3A_168 = arith.muli %scan3A_155, %mul3A_167 : i32
      %swap3A = arith.index_cast %mul3A_168 : i32 to index
      %swap3A_169 = tpu.vector_load %arg6[%swap3A] {strides = array<i32>} : memref<1024xi32, #tpu.memory_space<vmem>>, vector<16xi32>,
      %swap3A_170 = vector.shape_cast %swap3A_169 : vector<16xi32> to vector<16xi32>
      %swap3A_171 = vector.shape_cast %add3A_166 : vector<16xi32> to vector<16xi32>
      tpu.vector_store %arg6[%swap3A], %swap3A_171 {strides = array<i32>} : memref<1024xi32, #tpu.memory_space<vmem>>, vector<16xi32>,
      %scan3A_172 = arith.constant 0 : i32
      scf.yield %scan3A_172 : i32
    }
    %scan3A_46 = arith.constant 64 : i32
    %dma_start3A = arith.constant 0 : i32
    %dma_start3A_47 = tpu.memref_slice %arg7[%dma_start3A] : memref<1024xi32, #tpu.memory_space<vmem>> -> memref<128xi32, #tpu.memory_space<vmem>>
    %dma_start3A_48 = arith.constant 0 : i32
    %dma_start3A_49 = tpu.memref_slice %arg6[%dma_start3A_48] : memref<1024xi32, #tpu.memory_space<vmem>> -> memref<128xi32, #tpu.memory_space<vmem>>
    %dma_start3A_50 = arith.constant 0 : i32
    %dma_start3A_51 = tpu.memref_slice %arg3[%dma_start3A_50] : memref<2048xi32, #tpu.memory_space<hbm>> -> memref<2048xi32, #tpu.memory_space<hbm>>
    tpu.enqueue_indirect_dma source(%dma_start3A_51 : memref<2048xi32, #tpu.memory_space<hbm>>) target(%dma_start3A_47 : memref<128xi32, #tpu.memory_space<vmem>>) offsets(%dma_start3A_49 : memref<128xi32, #tpu.memory_space<vmem>>) semaphore(%arg9 : memref<!tpu.dma_semaphore, #tpu.memory_space<semaphore_mem>>)
    %dma_start3A_52 = arith.constant 128 : i32
    %dma_start3A_53 = tpu.memref_slice %arg7[%dma_start3A_52] : memref<1024xi32, #tpu.memory_space<vmem>> -> memref<128xi32, #tpu.memory_space<vmem>>
    %dma_start3A_54 = arith.constant 128 : i32
    %dma_start3A_55 = tpu.memref_slice %arg6[%dma_start3A_54] : memref<1024xi32, #tpu.memory_space<vmem>> -> memref<128xi32, #tpu.memory_space<vmem>>
    %dma_start3A_56 = arith.constant 0 : i32
    %dma_start3A_57 = tpu.memref_slice %arg3[%dma_start3A_56] : memref<2048xi32, #tpu.memory_space<hbm>> -> memref<2048xi32, #tpu.memory_space<hbm>>
    tpu.enqueue_indirect_dma source(%dma_start3A_57 : memref<2048xi32, #tpu.memory_space<hbm>>) target(%dma_start3A_53 : memref<128xi32, #tpu.memory_space<vmem>>) offsets(%dma_start3A_55 : memref<128xi32, #tpu.memory_space<vmem>>) semaphore(%arg9 : memref<!tpu.dma_semaphore, #tpu.memory_space<semaphore_mem>>)
    %dma_start3A_58 = arith.constant 256 : i32
    %dma_start3A_59 = tpu.memref_slice %arg7[%dma_start3A_58] : memref<1024xi32, #tpu.memory_space<vmem>> -> memref<128xi32, #tpu.memory_space<vmem>>
    %dma_start3A_60 = arith.constant 256 : i32
    %dma_start3A_61 = tpu.memref_slice %arg6[%dma_start3A_60] : memref<1024xi32, #tpu.memory_space<vmem>> -> memref<128xi32, #tpu.memory_space<vmem>>
    %dma_start3A_62 = arith.constant 0 : i32
    %dma_start3A_63 = tpu.memref_slice %arg3[%dma_start3A_62] : memref<2048xi32, #tpu.memory_space<hbm>> -> memref<2048xi32, #tpu.memory_space<hbm>>
    tpu.enqueue_indirect_dma source(%dma_start3A_63 : memref<2048xi32, #tpu.memory_space<hbm>>) target(%dma_start3A_59 : memref<128xi32, #tpu.memory_space<vmem>>) offsets(%dma_start3A_61 : memref<128xi32, #tpu.memory_space<vmem>>) semaphore(%arg9 : memref<!tpu.dma_semaphore, #tpu.memory_space<semaphore_mem>>)
    %dma_start3A_64 = arith.constant 384 : i32
    %dma_start3A_65 = tpu.memref_slice %arg7[%dma_start3A_64] : memref<1024xi32, #tpu.memory_space<vmem>> -> memref<128xi32, #tpu.memory_space<vmem>>
    %dma_start3A_66 = arith.constant 384 : i32
    %dma_start3A_67 = tpu.memref_slice %arg6[%dma_start3A_66] : memref<1024xi32, #tpu.memory_space<vmem>> -> memref<128xi32, #tpu.memory_space<vmem>>
    %dma_start3A_68 = arith.constant 0 : i32
    %dma_start3A_69 = tpu.memref_slice %arg3[%dma_start3A_68] : memref<2048xi32, #tpu.memory_space<hbm>> -> memref<2048xi32, #tpu.memory_space<hbm>>
    tpu.enqueue_indirect_dma source(%dma_start3A_69 : memref<2048xi32, #tpu.memory_space<hbm>>) target(%dma_start3A_65 : memref<128xi32, #tpu.memory_space<vmem>>) offsets(%dma_start3A_67 : memref<128xi32, #tpu.memory_space<vmem>>) semaphore(%arg9 : memref<!tpu.dma_semaphore, #tpu.memory_space<semaphore_mem>>)
    %dma_start3A_70 = arith.constant 512 : i32
    %dma_start3A_71 = tpu.memref_slice %arg7[%dma_start3A_70] : memref<1024xi32, #tpu.memory_space<vmem>> -> memref<128xi32, #tpu.memory_space<vmem>>
    %dma_start3A_72 = arith.constant 512 : i32
    %dma_start3A_73 = tpu.memref_slice %arg6[%dma_start3A_72] : memref<1024xi32, #tpu.memory_space<vmem>> -> memref<128xi32, #tpu.memory_space<vmem>>
    %dma_start3A_74 = arith.constant 0 : i32
    %dma_start3A_75 = tpu.memref_slice %arg3[%dma_start3A_74] : memref<2048xi32, #tpu.memory_space<hbm>> -> memref<2048xi32, #tpu.memory_space<hbm>>
    tpu.enqueue_indirect_dma source(%dma_start3A_75 : memref<2048xi32, #tpu.memory_space<hbm>>) target(%dma_start3A_71 : memref<128xi32, #tpu.memory_space<vmem>>) offsets(%dma_start3A_73 : memref<128xi32, #tpu.memory_space<vmem>>) semaphore(%arg9 : memref<!tpu.dma_semaphore, #tpu.memory_space<semaphore_mem>>)
    %dma_start3A_76 = arith.constant 640 : i32
    %dma_start3A_77 = tpu.memref_slice %arg7[%dma_start3A_76] : memref<1024xi32, #tpu.memory_space<vmem>> -> memref<128xi32, #tpu.memory_space<vmem>>
    %dma_start3A_78 = arith.constant 640 : i32
    %dma_start3A_79 = tpu.memref_slice %arg6[%dma_start3A_78] : memref<1024xi32, #tpu.memory_space<vmem>> -> memref<128xi32, #tpu.memory_space<vmem>>
    %dma_start3A_80 = arith.constant 0 : i32
    %dma_start3A_81 = tpu.memref_slice %arg3[%dma_start3A_80] : memref<2048xi32, #tpu.memory_space<hbm>> -> memref<2048xi32, #tpu.memory_space<hbm>>
    tpu.enqueue_indirect_dma source(%dma_start3A_81 : memref<2048xi32, #tpu.memory_space<hbm>>) target(%dma_start3A_77 : memref<128xi32, #tpu.memory_space<vmem>>) offsets(%dma_start3A_79 : memref<128xi32, #tpu.memory_space<vmem>>) semaphore(%arg9 : memref<!tpu.dma_semaphore, #tpu.memory_space<semaphore_mem>>)
    %dma_start3A_82 = arith.constant 768 : i32
    %dma_start3A_83 = tpu.memref_slice %arg7[%dma_start3A_82] : memref<1024xi32, #tpu.memory_space<vmem>> -> memref<128xi32, #tpu.memory_space<vmem>>
    %dma_start3A_84 = arith.constant 768 : i32
    %dma_start3A_85 = tpu.memref_slice %arg6[%dma_start3A_84] : memref<1024xi32, #tpu.memory_space<vmem>> -> memref<128xi32, #tpu.memory_space<vmem>>
    %dma_start3A_86 = arith.constant 0 : i32
    %dma_start3A_87 = tpu.memref_slice %arg3[%dma_start3A_86] : memref<2048xi32, #tpu.memory_space<hbm>> -> memref<2048xi32, #tpu.memory_space<hbm>>
    tpu.enqueue_indirect_dma source(%dma_start3A_87 : memref<2048xi32, #tpu.memory_space<hbm>>) target(%dma_start3A_83 : memref<128xi32, #tpu.memory_space<vmem>>) offsets(%dma_start3A_85 : memref<128xi32, #tpu.memory_space<vmem>>) semaphore(%arg9 : memref<!tpu.dma_semaphore, #tpu.memory_space<semaphore_mem>>)
    %dma_start3A_88 = arith.constant 896 : i32
    %dma_start3A_89 = tpu.memref_slice %arg7[%dma_start3A_88] : memref<1024xi32, #tpu.memory_space<vmem>> -> memref<128xi32, #tpu.memory_space<vmem>>
    %dma_start3A_90 = arith.constant 896 : i32
    %dma_start3A_91 = tpu.memref_slice %arg6[%dma_start3A_90] : memref<1024xi32, #tpu.memory_space<vmem>> -> memref<128xi32, #tpu.memory_space<vmem>>
    %dma_start3A_92 = arith.constant 0 : i32
    %dma_start3A_93 = tpu.memref_slice %arg3[%dma_start3A_92] : memref<2048xi32, #tpu.memory_space<hbm>> -> memref<2048xi32, #tpu.memory_space<hbm>>
    tpu.enqueue_indirect_dma source(%dma_start3A_93 : memref<2048xi32, #tpu.memory_space<hbm>>) target(%dma_start3A_89 : memref<128xi32, #tpu.memory_space<vmem>>) offsets(%dma_start3A_91 : memref<128xi32, #tpu.memory_space<vmem>>) semaphore(%arg9 : memref<!tpu.dma_semaphore, #tpu.memory_space<semaphore_mem>>)
    %scan3A_94 = arith.constant 0 : i32
    %scan3A_95 = arith.constant 0 : i32
    %scan3A_96 = arith.constant 64 : i32
    %scan3A_97 = arith.addi %scan3A_95, %scan3A_96 : i32
    %scan3A_98 = arith.constant 1 : i32
    %scan3A_99 = scf.for %scan3A_155 = %scan3A_95 to %scan3A_97 step %scan3A_98 iter_args(%scan3A_156 = %scan3A_94) -> (i32)  : i32 {
      %mul3A_157 = arith.constant 16 : i32
      %mul3A_158 = arith.muli %scan3A_155, %mul3A_157 : i32
      %add3A_159 = arith.constant 24 : i32
      %add3A_160 = arith.addi %add3A_159, %mul3A_158 : i32
      %get3A = arith.index_cast %add3A_160 : i32 to index
      %get3A_161 = tpu.vector_load %arg5[%get3A] {strides = array<i32>} : memref<1048xi32, #tpu.memory_space<vmem>>, vector<16xi32>,
      %get3A_162 = vector.shape_cast %get3A_161 : vector<16xi32> to vector<16xi32>
      %broadcast_in_dim3A = arith.constant 15 : i32
      %broadcast_in_dim3A_163 = vector.broadcast %broadcast_in_dim3A : i32 to vector<16xi32>
      %sub3A_164 = arith.constant 1 : i32
      %sub3A_165 = arith.subi %add3A_160, %sub3A_164 : i32
      %get3A_166 = arith.index_cast %sub3A_165 : i32 to index
      %get3A_167 = tpu.vector_load %arg5[%get3A_166] {strides = array<i32>} : memref<1048xi32, #tpu.memory_space<vmem>>, vector<16xi32>,
      %get3A_168 = vector.shape_cast %get3A_167 : vector<16xi32> to vector<16xi32>
      %sub3A_169 = arith.subi %get3A_168, %get3A_162 : vector<16xi32>
      %neg3A = arith.constant 0 : i32
      %neg3A_170 = vector.broadcast %neg3A : i32 to vector<16xi32>
      %neg3A_171 = arith.subi %neg3A_170, %sub3A_169 : vector<16xi32>
      %or3A = arith.ori %sub3A_169, %neg3A_171 : vector<16xi32>
      %shift_right_arithmetic3A = arith.constant 31 : i32
      %shift_right_arithmetic3A_172 = vector.broadcast %shift_right_arithmetic3A : i32 to vector<16xi32>
      %shift_right_arithmetic3A_173 = arith.shrsi %or3A, %shift_right_arithmetic3A_172 : vector<16xi32>
      %add3A_174 = arith.addi %broadcast_in_dim3A_163, %shift_right_arithmetic3A_173 : vector<16xi32>
      %sub3A_175 = arith.constant 2 : i32
      %sub3A_176 = arith.subi %add3A_160, %sub3A_175 : i32
      %get3A_177 = arith.index_cast %sub3A_176 : i32 to index
      %get3A_178 = tpu.vector_load %arg5[%get3A_177] {strides = array<i32>} : memref<1048xi32, #tpu.memory_space<vmem>>, vector<16xi32>,
      %get3A_179 = vector.shape_cast %get3A_178 : vector<16xi32> to vector<16xi32>
      %sub3A_180 = arith.subi %get3A_179, %get3A_162 : vector<16xi32>
      %neg3A_181 = arith.constant 0 : i32
      %neg3A_182 = vector.broadcast %neg3A_181 : i32 to vector<16xi32>
      %neg3A_183 = arith.subi %neg3A_182, %sub3A_180 : vector<16xi32>
      %or3A_184 = arith.ori %sub3A_180, %neg3A_183 : vector<16xi32>
      %shift_right_arithmetic3A_185 = arith.constant 31 : i32
      %shift_right_arithmetic3A_186 = vector.broadcast %shift_right_arithmetic3A_185 : i32 to vector<16xi32>
      %shift_right_arithmetic3A_187 = arith.shrsi %or3A_184, %shift_right_arithmetic3A_186 : vector<16xi32>
      %add3A_188 = arith.addi %add3A_174, %shift_right_arithmetic3A_187 : vector<16xi32>
      %sub3A_189 = arith.constant 3 : i32
      %sub3A_190 = arith.subi %add3A_160, %sub3A_189 : i32
      %get3A_191 = arith.index_cast %sub3A_190 : i32 to index
      %get3A_192 = tpu.vector_load %arg5[%get3A_191] {strides = array<i32>} : memref<1048xi32, #tpu.memory_space<vmem>>, vector<16xi32>,
      %get3A_193 = vector.shape_cast %get3A_192 : vector<16xi32> to vector<16xi32>
      %sub3A_194 = arith.subi %get3A_193, %get3A_162 : vector<16xi32>
      %neg3A_195 = arith.constant 0 : i32
      %neg3A_196 = vector.broadcast %neg3A_195 : i32 to vector<16xi32>
      %neg3A_197 = arith.subi %neg3A_196, %sub3A_194 : vector<16xi32>
      %or3A_198 = arith.ori %sub3A_194, %neg3A_197 : vector<16xi32>
      %shift_right_arithmetic3A_199 = arith.constant 31 : i32
      %shift_right_arithmetic3A_200 = vector.broadcast %shift_right_arithmetic3A_199 : i32 to vector<16xi32>
      %shift_right_arithmetic3A_201 = arith.shrsi %or3A_198, %shift_right_arithmetic3A_200 : vector<16xi32>
      %add3A_202 = arith.addi %add3A_188, %shift_right_arithmetic3A_201 : vector<16xi32>
      %sub3A_203 = arith.constant 4 : i32
      %sub3A_204 = arith.subi %add3A_160, %sub3A_203 : i32
      %get3A_205 = arith.index_cast %sub3A_204 : i32 to index
      %get3A_206 = tpu.vector_load %arg5[%get3A_205] {strides = array<i32>} : memref<1048xi32, #tpu.memory_space<vmem>>, vector<16xi32>,
      %get3A_207 = vector.shape_cast %get3A_206 : vector<16xi32> to vector<16xi32>
      %sub3A_208 = arith.subi %get3A_207, %get3A_162 : vector<16xi32>
      %neg3A_209 = arith.constant 0 : i32
      %neg3A_210 = vector.broadcast %neg3A_209 : i32 to vector<16xi32>
      %neg3A_211 = arith.subi %neg3A_210, %sub3A_208 : vector<16xi32>
      %or3A_212 = arith.ori %sub3A_208, %neg3A_211 : vector<16xi32>
      %shift_right_arithmetic3A_213 = arith.constant 31 : i32
      %shift_right_arithmetic3A_214 = vector.broadcast %shift_right_arithmetic3A_213 : i32 to vector<16xi32>
      %shift_right_arithmetic3A_215 = arith.shrsi %or3A_212, %shift_right_arithmetic3A_214 : vector<16xi32>
      %add3A_216 = arith.addi %add3A_202, %shift_right_arithmetic3A_215 : vector<16xi32>
      %sub3A_217 = arith.constant 5 : i32
      %sub3A_218 = arith.subi %add3A_160, %sub3A_217 : i32
      %get3A_219 = arith.index_cast %sub3A_218 : i32 to index
      %get3A_220 = tpu.vector_load %arg5[%get3A_219] {strides = array<i32>} : memref<1048xi32, #tpu.memory_space<vmem>>, vector<16xi32>,
      %get3A_221 = vector.shape_cast %get3A_220 : vector<16xi32> to vector<16xi32>
      %sub3A_222 = arith.subi %get3A_221, %get3A_162 : vector<16xi32>
      %neg3A_223 = arith.constant 0 : i32
      %neg3A_224 = vector.broadcast %neg3A_223 : i32 to vector<16xi32>
      %neg3A_225 = arith.subi %neg3A_224, %sub3A_222 : vector<16xi32>
      %or3A_226 = arith.ori %sub3A_222, %neg3A_225 : vector<16xi32>
      %shift_right_arithmetic3A_227 = arith.constant 31 : i32
      %shift_right_arithmetic3A_228 = vector.broadcast %shift_right_arithmetic3A_227 : i32 to vector<16xi32>
      %shift_right_arithmetic3A_229 = arith.shrsi %or3A_226, %shift_right_arithmetic3A_228 : vector<16xi32>
      %add3A_230 = arith.addi %add3A_216, %shift_right_arithmetic3A_229 : vector<16xi32>
      %sub3A_231 = arith.constant 6 : i32
      %sub3A_232 = arith.subi %add3A_160, %sub3A_231 : i32
      %get3A_233 = arith.index_cast %sub3A_232 : i32 to index
      %get3A_234 = tpu.vector_load %arg5[%get3A_233] {strides = array<i32>} : memref<1048xi32, #tpu.memory_space<vmem>>, vector<16xi32>,
      %get3A_235 = vector.shape_cast %get3A_234 : vector<16xi32> to vector<16xi32>
      %sub3A_236 = arith.subi %get3A_235, %get3A_162 : vector<16xi32>
      %neg3A_237 = arith.constant 0 : i32
      %neg3A_238 = vector.broadcast %neg3A_237 : i32 to vector<16xi32>
      %neg3A_239 = arith.subi %neg3A_238, %sub3A_236 : vector<16xi32>
      %or3A_240 = arith.ori %sub3A_236, %neg3A_239 : vector<16xi32>
      %shift_right_arithmetic3A_241 = arith.constant 31 : i32
      %shift_right_arithmetic3A_242 = vector.broadcast %shift_right_arithmetic3A_241 : i32 to vector<16xi32>
      %shift_right_arithmetic3A_243 = arith.shrsi %or3A_240, %shift_right_arithmetic3A_242 : vector<16xi32>
      %add3A_244 = arith.addi %add3A_230, %shift_right_arithmetic3A_243 : vector<16xi32>
      %sub3A_245 = arith.constant 7 : i32
      %sub3A_246 = arith.subi %add3A_160, %sub3A_245 : i32
      %get3A_247 = arith.index_cast %sub3A_246 : i32 to index
      %get3A_248 = tpu.vector_load %arg5[%get3A_247] {strides = array<i32>} : memref<1048xi32, #tpu.memory_space<vmem>>, vector<16xi32>,
      %get3A_249 = vector.shape_cast %get3A_248 : vector<16xi32> to vector<16xi32>
      %sub3A_250 = arith.subi %get3A_249, %get3A_162 : vector<16xi32>
      %neg3A_251 = arith.constant 0 : i32
      %neg3A_252 = vector.broadcast %neg3A_251 : i32 to vector<16xi32>
      %neg3A_253 = arith.subi %neg3A_252, %sub3A_250 : vector<16xi32>
      %or3A_254 = arith.ori %sub3A_250, %neg3A_253 : vector<16xi32>
      %shift_right_arithmetic3A_255 = arith.constant 31 : i32
      %shift_right_arithmetic3A_256 = vector.broadcast %shift_right_arithmetic3A_255 : i32 to vector<16xi32>
      %shift_right_arithmetic3A_257 = arith.shrsi %or3A_254, %shift_right_arithmetic3A_256 : vector<16xi32>
      %add3A_258 = arith.addi %add3A_244, %shift_right_arithmetic3A_257 : vector<16xi32>
      %sub3A_259 = arith.constant 8 : i32
      %sub3A_260 = arith.subi %add3A_160, %sub3A_259 : i32
      %get3A_261 = arith.index_cast %sub3A_260 : i32 to index
      %get3A_262 = tpu.vector_load %arg5[%get3A_261] {strides = array<i32>} : memref<1048xi32, #tpu.memory_space<vmem>>, vector<16xi32>,
      %get3A_263 = vector.shape_cast %get3A_262 : vector<16xi32> to vector<16xi32>
      %sub3A_264 = arith.subi %get3A_263, %get3A_162 : vector<16xi32>
      %neg3A_265 = arith.constant 0 : i32
      %neg3A_266 = vector.broadcast %neg3A_265 : i32 to vector<16xi32>
      %neg3A_267 = arith.subi %neg3A_266, %sub3A_264 : vector<16xi32>
      %or3A_268 = arith.ori %sub3A_264, %neg3A_267 : vector<16xi32>
      %shift_right_arithmetic3A_269 = arith.constant 31 : i32
      %shift_right_arithmetic3A_270 = vector.broadcast %shift_right_arithmetic3A_269 : i32 to vector<16xi32>
      %shift_right_arithmetic3A_271 = arith.shrsi %or3A_268, %shift_right_arithmetic3A_270 : vector<16xi32>
      %add3A_272 = arith.addi %add3A_258, %shift_right_arithmetic3A_271 : vector<16xi32>
      %sub3A_273 = arith.constant 9 : i32
      %sub3A_274 = arith.subi %add3A_160, %sub3A_273 : i32
      %get3A_275 = arith.index_cast %sub3A_274 : i32 to index
      %get3A_276 = tpu.vector_load %arg5[%get3A_275] {strides = array<i32>} : memref<1048xi32, #tpu.memory_space<vmem>>, vector<16xi32>,
      %get3A_277 = vector.shape_cast %get3A_276 : vector<16xi32> to vector<16xi32>
      %sub3A_278 = arith.subi %get3A_277, %get3A_162 : vector<16xi32>
      %neg3A_279 = arith.constant 0 : i32
      %neg3A_280 = vector.broadcast %neg3A_279 : i32 to vector<16xi32>
      %neg3A_281 = arith.subi %neg3A_280, %sub3A_278 : vector<16xi32>
      %or3A_282 = arith.ori %sub3A_278, %neg3A_281 : vector<16xi32>
      %shift_right_arithmetic3A_283 = arith.constant 31 : i32
      %shift_right_arithmetic3A_284 = vector.broadcast %shift_right_arithmetic3A_283 : i32 to vector<16xi32>
      %shift_right_arithmetic3A_285 = arith.shrsi %or3A_282, %shift_right_arithmetic3A_284 : vector<16xi32>
      %add3A_286 = arith.addi %add3A_272, %shift_right_arithmetic3A_285 : vector<16xi32>
      %sub3A_287 = arith.constant 10 : i32
      %sub3A_288 = arith.subi %add3A_160, %sub3A_287 : i32
      %get3A_289 = arith.index_cast %sub3A_288 : i32 to index
      %get3A_290 = tpu.vector_load %arg5[%get3A_289] {strides = array<i32>} : memref<1048xi32, #tpu.memory_space<vmem>>, vector<16xi32>,
      %get3A_291 = vector.shape_cast %get3A_290 : vector<16xi32> to vector<16xi32>
      %sub3A_292 = arith.subi %get3A_291, %get3A_162 : vector<16xi32>
      %neg3A_293 = arith.constant 0 : i32
      %neg3A_294 = vector.broadcast %neg3A_293 : i32 to vector<16xi32>
      %neg3A_295 = arith.subi %neg3A_294, %sub3A_292 : vector<16xi32>
      %or3A_296 = arith.ori %sub3A_292, %neg3A_295 : vector<16xi32>
      %shift_right_arithmetic3A_297 = arith.constant 31 : i32
      %shift_right_arithmetic3A_298 = vector.broadcast %shift_right_arithmetic3A_297 : i32 to vector<16xi32>
      %shift_right_arithmetic3A_299 = arith.shrsi %or3A_296, %shift_right_arithmetic3A_298 : vector<16xi32>
      %add3A_300 = arith.addi %add3A_286, %shift_right_arithmetic3A_299 : vector<16xi32>
      %sub3A_301 = arith.constant 11 : i32
      %sub3A_302 = arith.subi %add3A_160, %sub3A_301 : i32
      %get3A_303 = arith.index_cast %sub3A_302 : i32 to index
      %get3A_304 = tpu.vector_load %arg5[%get3A_303] {strides = array<i32>} : memref<1048xi32, #tpu.memory_space<vmem>>, vector<16xi32>,
      %get3A_305 = vector.shape_cast %get3A_304 : vector<16xi32> to vector<16xi32>
      %sub3A_306 = arith.subi %get3A_305, %get3A_162 : vector<16xi32>
      %neg3A_307 = arith.constant 0 : i32
      %neg3A_308 = vector.broadcast %neg3A_307 : i32 to vector<16xi32>
      %neg3A_309 = arith.subi %neg3A_308, %sub3A_306 : vector<16xi32>
      %or3A_310 = arith.ori %sub3A_306, %neg3A_309 : vector<16xi32>
      %shift_right_arithmetic3A_311 = arith.constant 31 : i32
      %shift_right_arithmetic3A_312 = vector.broadcast %shift_right_arithmetic3A_311 : i32 to vector<16xi32>
      %shift_right_arithmetic3A_313 = arith.shrsi %or3A_310, %shift_right_arithmetic3A_312 : vector<16xi32>
      %add3A_314 = arith.addi %add3A_300, %shift_right_arithmetic3A_313 : vector<16xi32>
      %sub3A_315 = arith.constant 12 : i32
      %sub3A_316 = arith.subi %add3A_160, %sub3A_315 : i32
      %get3A_317 = arith.index_cast %sub3A_316 : i32 to index
      %get3A_318 = tpu.vector_load %arg5[%get3A_317] {strides = array<i32>} : memref<1048xi32, #tpu.memory_space<vmem>>, vector<16xi32>,
      %get3A_319 = vector.shape_cast %get3A_318 : vector<16xi32> to vector<16xi32>
      %sub3A_320 = arith.subi %get3A_319, %get3A_162 : vector<16xi32>
      %neg3A_321 = arith.constant 0 : i32
      %neg3A_322 = vector.broadcast %neg3A_321 : i32 to vector<16xi32>
      %neg3A_323 = arith.subi %neg3A_322, %sub3A_320 : vector<16xi32>
      %or3A_324 = arith.ori %sub3A_320, %neg3A_323 : vector<16xi32>
      %shift_right_arithmetic3A_325 = arith.constant 31 : i32
      %shift_right_arithmetic3A_326 = vector.broadcast %shift_right_arithmetic3A_325 : i32 to vector<16xi32>
      %shift_right_arithmetic3A_327 = arith.shrsi %or3A_324, %shift_right_arithmetic3A_326 : vector<16xi32>
      %add3A_328 = arith.addi %add3A_314, %shift_right_arithmetic3A_327 : vector<16xi32>
      %sub3A_329 = arith.constant 13 : i32
      %sub3A_330 = arith.subi %add3A_160, %sub3A_329 : i32
      %get3A_331 = arith.index_cast %sub3A_330 : i32 to index
      %get3A_332 = tpu.vector_load %arg5[%get3A_331] {strides = array<i32>} : memref<1048xi32, #tpu.memory_space<vmem>>, vector<16xi32>,
      %get3A_333 = vector.shape_cast %get3A_332 : vector<16xi32> to vector<16xi32>
      %sub3A_334 = arith.subi %get3A_333, %get3A_162 : vector<16xi32>
      %neg3A_335 = arith.constant 0 : i32
      %neg3A_336 = vector.broadcast %neg3A_335 : i32 to vector<16xi32>
      %neg3A_337 = arith.subi %neg3A_336, %sub3A_334 : vector<16xi32>
      %or3A_338 = arith.ori %sub3A_334, %neg3A_337 : vector<16xi32>
      %shift_right_arithmetic3A_339 = arith.constant 31 : i32
      %shift_right_arithmetic3A_340 = vector.broadcast %shift_right_arithmetic3A_339 : i32 to vector<16xi32>
      %shift_right_arithmetic3A_341 = arith.shrsi %or3A_338, %shift_right_arithmetic3A_340 : vector<16xi32>
      %add3A_342 = arith.addi %add3A_328, %shift_right_arithmetic3A_341 : vector<16xi32>
      %sub3A_343 = arith.constant 14 : i32
      %sub3A_344 = arith.subi %add3A_160, %sub3A_343 : i32
      %get3A_345 = arith.index_cast %sub3A_344 : i32 to index
      %get3A_346 = tpu.vector_load %arg5[%get3A_345] {strides = array<i32>} : memref<1048xi32, #tpu.memory_space<vmem>>, vector<16xi32>,
      %get3A_347 = vector.shape_cast %get3A_346 : vector<16xi32> to vector<16xi32>
      %sub3A_348 = arith.subi %get3A_347, %get3A_162 : vector<16xi32>
      %neg3A_349 = arith.constant 0 : i32
      %neg3A_350 = vector.broadcast %neg3A_349 : i32 to vector<16xi32>
      %neg3A_351 = arith.subi %neg3A_350, %sub3A_348 : vector<16xi32>
      %or3A_352 = arith.ori %sub3A_348, %neg3A_351 : vector<16xi32>
      %shift_right_arithmetic3A_353 = arith.constant 31 : i32
      %shift_right_arithmetic3A_354 = vector.broadcast %shift_right_arithmetic3A_353 : i32 to vector<16xi32>
      %shift_right_arithmetic3A_355 = arith.shrsi %or3A_352, %shift_right_arithmetic3A_354 : vector<16xi32>
      %add3A_356 = arith.addi %add3A_342, %shift_right_arithmetic3A_355 : vector<16xi32>
      %sub3A_357 = arith.constant 15 : i32
      %sub3A_358 = arith.subi %add3A_160, %sub3A_357 : i32
      %get3A_359 = arith.index_cast %sub3A_358 : i32 to index
      %get3A_360 = tpu.vector_load %arg5[%get3A_359] {strides = array<i32>} : memref<1048xi32, #tpu.memory_space<vmem>>, vector<16xi32>,
      %get3A_361 = vector.shape_cast %get3A_360 : vector<16xi32> to vector<16xi32>
      %sub3A_362 = arith.subi %get3A_361, %get3A_162 : vector<16xi32>
      %neg3A_363 = arith.constant 0 : i32
      %neg3A_364 = vector.broadcast %neg3A_363 : i32 to vector<16xi32>
      %neg3A_365 = arith.subi %neg3A_364, %sub3A_362 : vector<16xi32>
      %or3A_366 = arith.ori %sub3A_362, %neg3A_365 : vector<16xi32>
      %shift_right_arithmetic3A_367 = arith.constant 31 : i32
      %shift_right_arithmetic3A_368 = vector.broadcast %shift_right_arithmetic3A_367 : i32 to vector<16xi32>
      %shift_right_arithmetic3A_369 = arith.shrsi %or3A_366, %shift_right_arithmetic3A_368 : vector<16xi32>
      %add3A_370 = arith.addi %add3A_356, %shift_right_arithmetic3A_369 : vector<16xi32>
      %mul3A_371 = arith.constant 16 : i32
      %mul3A_372 = arith.muli %scan3A_155, %mul3A_371 : i32
      %swap3A = arith.index_cast %mul3A_372 : i32 to index
      %swap3A_373 = tpu.vector_load %arg8[%swap3A] {strides = array<i32>} : memref<1024xi32, #tpu.memory_space<vmem>>, vector<16xi32>,
      %swap3A_374 = vector.shape_cast %swap3A_373 : vector<16xi32> to vector<16xi32>
      %swap3A_375 = vector.shape_cast %add3A_370 : vector<16xi32> to vector<16xi32>
      tpu.vector_store %arg8[%swap3A], %swap3A_375 {strides = array<i32>} : memref<1024xi32, #tpu.memory_space<vmem>>, vector<16xi32>,
      %scan3A_376 = arith.constant 0 : i32
      scf.yield %scan3A_376 : i32
    }
    %scan3A_100 = arith.constant 64 : i32
    %dma_wait3A = arith.constant 0 : i32
    %dma_wait3A_101 = tpu.memref_slice %arg7[%dma_wait3A] : memref<1024xi32, #tpu.memory_space<vmem>> -> memref<128xi32, #tpu.memory_space<vmem>>
    %dma_wait3A_102 = arith.constant 0 : i32
    %dma_wait3A_103 = tpu.memref_slice %arg6[%dma_wait3A_102] : memref<1024xi32, #tpu.memory_space<vmem>> -> memref<128xi32, #tpu.memory_space<vmem>>
    %dma_wait3A_104 = arith.constant 0 : i32
    %dma_wait3A_105 = tpu.memref_slice %arg3[%dma_wait3A_104] : memref<2048xi32, #tpu.memory_space<hbm>> -> memref<2048xi32, #tpu.memory_space<hbm>>
    tpu.wait_indirect_dma semaphore(%arg9 : memref<!tpu.dma_semaphore, #tpu.memory_space<semaphore_mem>>) src(%dma_wait3A_105 : memref<2048xi32, #tpu.memory_space<hbm>>) dst(%dma_wait3A_101 : memref<128xi32, #tpu.memory_space<vmem>>)
    %dma_wait3A_106 = arith.constant 128 : i32
    %dma_wait3A_107 = tpu.memref_slice %arg7[%dma_wait3A_106] : memref<1024xi32, #tpu.memory_space<vmem>> -> memref<128xi32, #tpu.memory_space<vmem>>
    %dma_wait3A_108 = arith.constant 128 : i32
    %dma_wait3A_109 = tpu.memref_slice %arg6[%dma_wait3A_108] : memref<1024xi32, #tpu.memory_space<vmem>> -> memref<128xi32, #tpu.memory_space<vmem>>
    %dma_wait3A_110 = arith.constant 0 : i32
    %dma_wait3A_111 = tpu.memref_slice %arg3[%dma_wait3A_110] : memref<2048xi32, #tpu.memory_space<hbm>> -> memref<2048xi32, #tpu.memory_space<hbm>>
    tpu.wait_indirect_dma semaphore(%arg9 : memref<!tpu.dma_semaphore, #tpu.memory_space<semaphore_mem>>) src(%dma_wait3A_111 : memref<2048xi32, #tpu.memory_space<hbm>>) dst(%dma_wait3A_107 : memref<128xi32, #tpu.memory_space<vmem>>)
    %dma_wait3A_112 = arith.constant 256 : i32
    %dma_wait3A_113 = tpu.memref_slice %arg7[%dma_wait3A_112] : memref<1024xi32, #tpu.memory_space<vmem>> -> memref<128xi32, #tpu.memory_space<vmem>>
    %dma_wait3A_114 = arith.constant 256 : i32
    %dma_wait3A_115 = tpu.memref_slice %arg6[%dma_wait3A_114] : memref<1024xi32, #tpu.memory_space<vmem>> -> memref<128xi32, #tpu.memory_space<vmem>>
    %dma_wait3A_116 = arith.constant 0 : i32
    %dma_wait3A_117 = tpu.memref_slice %arg3[%dma_wait3A_116] : memref<2048xi32, #tpu.memory_space<hbm>> -> memref<2048xi32, #tpu.memory_space<hbm>>
    tpu.wait_indirect_dma semaphore(%arg9 : memref<!tpu.dma_semaphore, #tpu.memory_space<semaphore_mem>>) src(%dma_wait3A_117 : memref<2048xi32, #tpu.memory_space<hbm>>) dst(%dma_wait3A_113 : memref<128xi32, #tpu.memory_space<vmem>>)
    %dma_wait3A_118 = arith.constant 384 : i32
    %dma_wait3A_119 = tpu.memref_slice %arg7[%dma_wait3A_118] : memref<1024xi32, #tpu.memory_space<vmem>> -> memref<128xi32, #tpu.memory_space<vmem>>
    %dma_wait3A_120 = arith.constant 384 : i32
    %dma_wait3A_121 = tpu.memref_slice %arg6[%dma_wait3A_120] : memref<1024xi32, #tpu.memory_space<vmem>> -> memref<128xi32, #tpu.memory_space<vmem>>
    %dma_wait3A_122 = arith.constant 0 : i32
    %dma_wait3A_123 = tpu.memref_slice %arg3[%dma_wait3A_122] : memref<2048xi32, #tpu.memory_space<hbm>> -> memref<2048xi32, #tpu.memory_space<hbm>>
    tpu.wait_indirect_dma semaphore(%arg9 : memref<!tpu.dma_semaphore, #tpu.memory_space<semaphore_mem>>) src(%dma_wait3A_123 : memref<2048xi32, #tpu.memory_space<hbm>>) dst(%dma_wait3A_119 : memref<128xi32, #tpu.memory_space<vmem>>)
    %dma_wait3A_124 = arith.constant 512 : i32
    %dma_wait3A_125 = tpu.memref_slice %arg7[%dma_wait3A_124] : memref<1024xi32, #tpu.memory_space<vmem>> -> memref<128xi32, #tpu.memory_space<vmem>>
    %dma_wait3A_126 = arith.constant 512 : i32
    %dma_wait3A_127 = tpu.memref_slice %arg6[%dma_wait3A_126] : memref<1024xi32, #tpu.memory_space<vmem>> -> memref<128xi32, #tpu.memory_space<vmem>>
    %dma_wait3A_128 = arith.constant 0 : i32
    %dma_wait3A_129 = tpu.memref_slice %arg3[%dma_wait3A_128] : memref<2048xi32, #tpu.memory_space<hbm>> -> memref<2048xi32, #tpu.memory_space<hbm>>
    tpu.wait_indirect_dma semaphore(%arg9 : memref<!tpu.dma_semaphore, #tpu.memory_space<semaphore_mem>>) src(%dma_wait3A_129 : memref<2048xi32, #tpu.memory_space<hbm>>) dst(%dma_wait3A_125 : memref<128xi32, #tpu.memory_space<vmem>>)
    %dma_wait3A_130 = arith.constant 640 : i32
    %dma_wait3A_131 = tpu.memref_slice %arg7[%dma_wait3A_130] : memref<1024xi32, #tpu.memory_space<vmem>> -> memref<128xi32, #tpu.memory_space<vmem>>
    %dma_wait3A_132 = arith.constant 640 : i32
    %dma_wait3A_133 = tpu.memref_slice %arg6[%dma_wait3A_132] : memref<1024xi32, #tpu.memory_space<vmem>> -> memref<128xi32, #tpu.memory_space<vmem>>
    %dma_wait3A_134 = arith.constant 0 : i32
    %dma_wait3A_135 = tpu.memref_slice %arg3[%dma_wait3A_134] : memref<2048xi32, #tpu.memory_space<hbm>> -> memref<2048xi32, #tpu.memory_space<hbm>>
    tpu.wait_indirect_dma semaphore(%arg9 : memref<!tpu.dma_semaphore, #tpu.memory_space<semaphore_mem>>) src(%dma_wait3A_135 : memref<2048xi32, #tpu.memory_space<hbm>>) dst(%dma_wait3A_131 : memref<128xi32, #tpu.memory_space<vmem>>)
    %dma_wait3A_136 = arith.constant 768 : i32
    %dma_wait3A_137 = tpu.memref_slice %arg7[%dma_wait3A_136] : memref<1024xi32, #tpu.memory_space<vmem>> -> memref<128xi32, #tpu.memory_space<vmem>>
    %dma_wait3A_138 = arith.constant 768 : i32
    %dma_wait3A_139 = tpu.memref_slice %arg6[%dma_wait3A_138] : memref<1024xi32, #tpu.memory_space<vmem>> -> memref<128xi32, #tpu.memory_space<vmem>>
    %dma_wait3A_140 = arith.constant 0 : i32
    %dma_wait3A_141 = tpu.memref_slice %arg3[%dma_wait3A_140] : memref<2048xi32, #tpu.memory_space<hbm>> -> memref<2048xi32, #tpu.memory_space<hbm>>
    tpu.wait_indirect_dma semaphore(%arg9 : memref<!tpu.dma_semaphore, #tpu.memory_space<semaphore_mem>>) src(%dma_wait3A_141 : memref<2048xi32, #tpu.memory_space<hbm>>) dst(%dma_wait3A_137 : memref<128xi32, #tpu.memory_space<vmem>>)
    %dma_wait3A_142 = arith.constant 896 : i32
    %dma_wait3A_143 = tpu.memref_slice %arg7[%dma_wait3A_142] : memref<1024xi32, #tpu.memory_space<vmem>> -> memref<128xi32, #tpu.memory_space<vmem>>
    %dma_wait3A_144 = arith.constant 896 : i32
    %dma_wait3A_145 = tpu.memref_slice %arg6[%dma_wait3A_144] : memref<1024xi32, #tpu.memory_space<vmem>> -> memref<128xi32, #tpu.memory_space<vmem>>
    %dma_wait3A_146 = arith.constant 0 : i32
    %dma_wait3A_147 = tpu.memref_slice %arg3[%dma_wait3A_146] : memref<2048xi32, #tpu.memory_space<hbm>> -> memref<2048xi32, #tpu.memory_space<hbm>>
    tpu.wait_indirect_dma semaphore(%arg9 : memref<!tpu.dma_semaphore, #tpu.memory_space<semaphore_mem>>) src(%dma_wait3A_147 : memref<2048xi32, #tpu.memory_space<hbm>>) dst(%dma_wait3A_143 : memref<128xi32, #tpu.memory_space<vmem>>)
    %scan3A_148 = arith.constant 0 : i32
    %scan3A_149 = arith.constant 0 : i32
    %scan3A_150 = arith.constant 64 : i32
    %scan3A_151 = arith.addi %scan3A_149, %scan3A_150 : i32
    %scan3A_152 = arith.constant 1 : i32
    %scan3A_153 = scf.for %scan3A_155 = %scan3A_149 to %scan3A_151 step %scan3A_152 iter_args(%scan3A_156 = %scan3A_148) -> (i32)  : i32 {
      %mul3A_157 = arith.constant 16 : i32
      %mul3A_158 = arith.muli %scan3A_155, %mul3A_157 : i32
      %get3A = arith.index_cast %mul3A_158 : i32 to index
      %get3A_159 = tpu.vector_load %arg8[%get3A] {strides = array<i32>} : memref<1024xi32, #tpu.memory_space<vmem>>, vector<16xi32>,
      %get3A_160 = vector.shape_cast %get3A_159 : vector<16xi32> to vector<16xi32>
      %get3A_161 = arith.index_cast %mul3A_158 : i32 to index
      %get3A_162 = tpu.vector_load %arg7[%get3A_161] {strides = array<i32>} : memref<1024xi32, #tpu.memory_space<vmem>>, vector<16xi32>,
      %get3A_163 = vector.shape_cast %get3A_162 : vector<16xi32> to vector<16xi32>
      %min3A = arith.minsi %get3A_160, %get3A_163 : vector<16xi32>
      %swap3A = arith.index_cast %mul3A_158 : i32 to index
      %swap3A_164 = tpu.vector_load %arg8[%swap3A] {strides = array<i32>} : memref<1024xi32, #tpu.memory_space<vmem>>, vector<16xi32>,
      %swap3A_165 = vector.shape_cast %swap3A_164 : vector<16xi32> to vector<16xi32>
      %swap3A_166 = vector.shape_cast %min3A : vector<16xi32> to vector<16xi32>
      tpu.vector_store %arg8[%swap3A], %swap3A_166 {strides = array<i32>} : memref<1024xi32, #tpu.memory_space<vmem>>, vector<16xi32>,
      %scan3A_167 = arith.constant 0 : i32
      scf.yield %scan3A_167 : i32
    }
    %scan3A_154 = arith.constant 64 : i32
    "tpu.region"() ({
      %run_scoped3A = tpu.sem_alloc : memref<!tpu.dma_semaphore, #tpu.memory_space<semaphore_mem>>
      %dma_start3A_155 = tpu.memref_slice %arg4[%add3A_33] : memref<16384xi32, #tpu.memory_space<hbm>> -> memref<1024xi32, #tpu.memory_space<hbm>>
      %dma_start3A_156 = tpu.memref_slice %arg4[%add3A_33] : memref<16384xi32, #tpu.memory_space<hbm>> -> memref<1024xi32, #tpu.memory_space<hbm>>
      tpu.enqueue_dma source(%arg8 : memref<1024xi32, #tpu.memory_space<vmem>>) target(%dma_start3A_156 : memref<1024xi32, #tpu.memory_space<hbm>>) target_semaphore(%run_scoped3A : memref<!tpu.dma_semaphore, #tpu.memory_space<semaphore_mem>>)
      %dma_wait3A_157 = tpu.memref_slice %arg4[%add3A_33] : memref<16384xi32, #tpu.memory_space<hbm>> -> memref<1024xi32, #tpu.memory_space<hbm>>
      %dma_wait3A_158 = tpu.memref_slice %arg4[%add3A_33] : memref<16384xi32, #tpu.memory_space<hbm>> -> memref<1024xi32, #tpu.memory_space<hbm>>
      tpu.wait_dma2 semaphore(%run_scoped3A : memref<!tpu.dma_semaphore, #tpu.memory_space<semaphore_mem>>) src(%arg8 : memref<1024xi32, #tpu.memory_space<vmem>>) dst(%dma_wait3A_158 : memref<1024xi32, #tpu.memory_space<hbm>>)
      tpu.yield
    }) : () -> ()
    return
  }
}

module attributes {stable_mosaic.version = 14 : i64} {
  func.func @_tc_body(%arg0: i32, %arg1: memref<1x2048x384xf32, #tpu.memory_space<vmem>>, %arg2: memref<1x256x384xf32, #tpu.memory_space<vmem>>, %arg3: memref<1x1x2048xi32, #tpu.memory_space<vmem>>, %arg4: memref<1x1x2048xi32, #tpu.memory_space<vmem>>, %arg5: memref<16x384xf32, #tpu.memory_space<vmem>>, %arg6: memref<1x2048x384xf32, #tpu.memory_space<vmem>>) attributes {dimension_semantics = [#tpu.dimension_semantics<arbitrary>], iteration_bounds = array<i64: 8>, scalar_prefetch = 0 : i64, scratch_operands = 0 : i64, tpu.core_type = #tpu.core_type<tc>, window_params = [{transform_indices = @transform_0, window_bounds = array<i64: 1, 2048, 384>}, {transform_indices = @transform_1, window_bounds = array<i64: 1, 256, 384>}, {transform_indices = @transform_2, window_bounds = array<i64: 1, 1, 2048>}, {transform_indices = @transform_3, window_bounds = array<i64: 1, 1, 2048>}, {pipeline_mode = #tpu.pipeline_mode<synchronous>, transform_indices = @transform_4, window_bounds = array<i64: 16, 384>}, {transform_indices = @transform_5, window_bounds = array<i64: 1, 2048, 384>}]} {
    %get3A = arith.constant 0 : index
    %get3A_0 = arith.constant 0 : index
    %get3A_1 = arith.constant 0 : index
    %get3A_2 = vector.load %arg3[%get3A, %get3A_0, %get3A_1] : memref<1x1x2048xi32, #tpu.memory_space<vmem>>, vector<1x1x2048xi32>
    %get3A_3 = vector.shape_cast %get3A_2 : vector<1x1x2048xi32> to vector<1x2048xi32>
    %get3A_4 = arith.constant 0 : index
    %get3A_5 = arith.constant 0 : index
    %get3A_6 = arith.constant 0 : index
    %get3A_7 = vector.load %arg4[%get3A_4, %get3A_5, %get3A_6] : memref<1x1x2048xi32, #tpu.memory_space<vmem>>, vector<1x1x2048xi32>
    %get3A_8 = vector.shape_cast %get3A_7 : vector<1x1x2048xi32> to vector<1x2048xi32>
    %iota3A = tpu.iota {dimensions = array<i32: 0>} : vector<256x2048xi32>
    %broadcast_in_dim3A = vector.shape_cast %get3A_3 : vector<1x2048xi32> to vector<1x2048xi32>
    %broadcast_in_dim3A_9 = vector.broadcast %broadcast_in_dim3A : vector<1x2048xi32> to vector<256x2048xi32>
    %eq3A = arith.cmpi eq, %broadcast_in_dim3A_9, %iota3A : vector<256x2048xi32>
    %convert_element_type3A = arith.extui %eq3A : vector<256x2048xi1> to vector<256x2048xi32>
    %convert_element_type3A_10 = arith.sitofp %convert_element_type3A : vector<256x2048xi32> to vector<256x2048xf32>
    %convert_element_type3A_11 = arith.truncf %convert_element_type3A_10 : vector<256x2048xf32> to vector<256x2048xbf16>
    %get3A_12 = arith.constant 0 : index
    %get3A_13 = arith.constant 0 : index
    %get3A_14 = arith.constant 0 : index
    %get3A_15 = vector.load %arg2[%get3A_12, %get3A_13, %get3A_14] : memref<1x256x384xf32, #tpu.memory_space<vmem>>, vector<1x256x384xf32>
    %get3A_16 = vector.shape_cast %get3A_15 : vector<1x256x384xf32> to vector<256x384xf32>
    %convert_element_type3A_17 = arith.truncf %get3A_16 : vector<256x384xf32> to vector<256x384xbf16>
    %dot_general3A = arith.constant dense<0.000000e+00> : vector<2048x384xf32>
    %dot_general3A_18 = tpu.matmul %convert_element_type3A_11, %convert_element_type3A_17, %dot_general3A {dimension_numbers = #tpu.dot_dimension_numbers<[0], [0], [1], [1], [0, 1, 1, 1], [], []>, transpose_lhs_hint = false} : vector<256x2048xbf16>, vector<256x384xbf16>, vector<2048x384xf32> -> vector<2048x384xf32>
    %iota3A_19 = tpu.iota {dimensions = array<i32: 0>} : vector<16x2048xi32>
    %broadcast_in_dim3A_20 = vector.shape_cast %get3A_8 : vector<1x2048xi32> to vector<1x2048xi32>
    %broadcast_in_dim3A_21 = vector.broadcast %broadcast_in_dim3A_20 : vector<1x2048xi32> to vector<16x2048xi32>
    %eq3A_22 = arith.cmpi eq, %broadcast_in_dim3A_21, %iota3A_19 : vector<16x2048xi32>
    %convert_element_type3A_23 = arith.extui %eq3A_22 : vector<16x2048xi1> to vector<16x2048xi32>
    %convert_element_type3A_24 = arith.sitofp %convert_element_type3A_23 : vector<16x2048xi32> to vector<16x2048xf32>
    %get3A_25 = arith.constant 0 : index
    %get3A_26 = arith.constant 0 : index
    %get3A_27 = vector.load %arg5[%get3A_25, %get3A_26] : memref<16x384xf32, #tpu.memory_space<vmem>>, vector<16x384xf32>
    %dot_general3A_28 = arith.constant dense<0.000000e+00> : vector<2048x384xf32>
    %dot_general3A_29 = tpu.matmul %convert_element_type3A_24, %get3A_27, %dot_general3A_28 {dimension_numbers = #tpu.dot_dimension_numbers<[0], [0], [1], [1], [0, 1, 1, 1], [], []>, transpose_lhs_hint = false} : vector<16x2048xf32>, vector<16x384xf32>, vector<2048x384xf32> -> vector<2048x384xf32>
    %get3A_30 = arith.constant 0 : index
    %get3A_31 = arith.constant 0 : index
    %get3A_32 = arith.constant 0 : index
    %get3A_33 = vector.load %arg1[%get3A_30, %get3A_31, %get3A_32] : memref<1x2048x384xf32, #tpu.memory_space<vmem>>, vector<1x2048x384xf32>
    %get3A_34 = vector.shape_cast %get3A_33 : vector<1x2048x384xf32> to vector<2048x384xf32>
    %add3A = arith.addf %get3A_34, %dot_general3A_18 : vector<2048x384xf32>
    %add3A_35 = arith.addf %add3A, %dot_general3A_29 : vector<2048x384xf32>
    %swap3A = arith.constant 0 : index
    %swap3A_36 = arith.constant 0 : index
    %swap3A_37 = arith.constant 0 : index
    %swap3A_38 = vector.load %arg6[%swap3A, %swap3A_36, %swap3A_37] : memref<1x2048x384xf32, #tpu.memory_space<vmem>>, vector<1x2048x384xf32>
    %swap3A_39 = vector.shape_cast %swap3A_38 : vector<1x2048x384xf32> to vector<2048x384xf32>
    %swap3A_40 = vector.shape_cast %add3A_35 : vector<2048x384xf32> to vector<1x2048x384xf32>
    tpu.vector_store %arg6[%swap3A, %swap3A_36, %swap3A_37], %swap3A_40 {strides = array<i32>} : memref<1x2048x384xf32, #tpu.memory_space<vmem>>, vector<1x2048x384xf32>,
    return
  }
  func.func @transform_0(%arg0: i32) -> (i32, i32, i32) {
    %c0_i32 = arith.constant 0 : i32
    %c0_i32_0 = arith.constant 0 : i32
    %c0_i32_1 = arith.constant 0 : i32
    return %arg0, %c0_i32, %c0_i32_0 : i32, i32, i32
  }
  func.func @transform_1(%arg0: i32) -> (i32, i32, i32) {
    %c0_i32 = arith.constant 0 : i32
    %c0_i32_0 = arith.constant 0 : i32
    %c0_i32_1 = arith.constant 0 : i32
    return %arg0, %c0_i32, %c0_i32_0 : i32, i32, i32
  }
  func.func @transform_2(%arg0: i32) -> (i32, i32, i32) {
    %c0_i32 = arith.constant 0 : i32
    %c0_i32_0 = arith.constant 0 : i32
    %c0_i32_1 = arith.constant 0 : i32
    return %arg0, %c0_i32, %c0_i32_0 : i32, i32, i32
  }
  func.func @transform_3(%arg0: i32) -> (i32, i32, i32) {
    %c0_i32 = arith.constant 0 : i32
    %c0_i32_0 = arith.constant 0 : i32
    %c0_i32_1 = arith.constant 0 : i32
    return %arg0, %c0_i32, %c0_i32_0 : i32, i32, i32
  }
  func.func @transform_4(%arg0: i32) -> (i32, i32) {
    %c0_i32 = arith.constant 0 : i32
    %c0_i32_0 = arith.constant 0 : i32
    %c0_i32_1 = arith.constant 0 : i32
    return %c0_i32, %c0_i32_0 : i32, i32
  }
  func.func @transform_5(%arg0: i32) -> (i32, i32, i32) {
    %c0_i32 = arith.constant 0 : i32
    %c0_i32_0 = arith.constant 0 : i32
    %c0_i32_1 = arith.constant 0 : i32
    return %arg0, %c0_i32, %c0_i32_0 : i32, i32, i32
  }
}

</mosaic_0001>

<sc_bundles>
// kernel: kernel.4.cloned.1.call-start
scs
__scs_entry_jumppad:
0x0: {  	(pc) =	sbr.rel $0x88, $3  }
0x1: {  	(tag) =	ssettag $0x0;
	lr =	simm.s32 $0x1  }
0x2: {  	[smem:$0x3F9D] =	sst lr;
	_ =	strace $0xD0000000  }
0x3: {  	_ = 	snop  }
0x4: {  	_ = 	snop  }
0x5: {  	_ = 	snop  }
0x6: {  	_ = 	snop  }
0x7: {  	_ = 	snop  }
__scs_overlays_trampoline_lowered:
0x8: {  	[smem:$0x3FAC] =	sst s0  }
0x9: {  	[smem:$0x3FAD] =	sst s1  }
0xa: {  	[smem:$0x3FAE] =	sst s2  }
0xb: {  	[smem:$0x3FAF] =	sst s3  }
0xc: {  	[smem:$0x3FB0] =	sst s4  }
0xd: {  	[smem:$0x3FB1] =	sst s5  }
0xe: {  	[smem:$0x3FB2] =	sst s6  }
0xf: {  	[smem:$0x3FB3] =	sst s7  }
0x10: {  	[smem:$0x3FB4] =	sst s8  }
0x11: {  	[smem:$0x3FB5] =	sst s9;
	s0 =	simm.s32 @!p0 $0x0  }
0x12: {  	s1 =	sld [smem:$0x3F9B];
	s0 =	simm.s32 @p0 $0x1  }
0x13: {  	[smem:$0x3FB6] =	sst s0;
	s0 =	simm.s32 @!p1 $0x0  }
0x14: {  	s2 =	sld [smem:$0x3F9A];
	s0 =	simm.s32 @p1 $0x1  }
0x15: {  	[smem:$0x3FB7] =	sst s0;
	s0 =	simm.s32 @!p2 $0x0  }
0x16: {  	s3 =	sld [smem:$0x3FDB];
	s0 =	simm.s32 @p2 $0x1  }
0x17: {  	s4 =	simm.s32 $0x1BF5;
	[smem:$0x3FB9] =	sst s0  }
0x18: {  	s0 =	sld [smem:$0x3F9C];
	_ =	swait.ge [sflag:s4], $0x0  }
0x19: {  	s7 =	sld [smem:$0x3F9D]  }
0x1a: {  	s8 =	sadd.s32 $0xFFFFE003, lr  }
0x1b: {  	s9 =	sadd.s32 $0xFFFFFEF7, lr;
	s5 =	simm.s32 $0xFFFFFFFF;
	p2 =	slt.u32 s8, $0xFFFFF086  }
0x1c: {  	p1 =	slt.u32 s9, $0xF7A;
	s5 =	simm.s32 @!p2 $0x0  }
0x1d: {  	s5 =	simm.s32 @p1 $0x1;
	p0 =	seq.s32 s7, s2  }
0x1e: {  	s7 =	smul.u32 @!p0 $0xF7A, s2;
	p2 =	seq.s32 @!p0 s5, $0x0  }
0x1f: {  	s9 =	smul.u32 $0xF7A, s1;
	s8 =	simm.s32 @!p0 $0x1BF5;
	p2 =	por !p2, p0  }
0x20: {  	[sflag:s8] =	ssyncset.s32 @!p0 $0xFFFFF086;
	s6 =	sadd.s32 @!p0 s3, s7;
	s7 =	simm.s32 @!p0 $0x108  }
0x21: {  	s3 =	sadd.s32 s3, s9;
	s6 =	sadd.s32 @!p0 $0x88, s6;
	s7 =	simm.s32 @p2 $0x1082  }
0x22: {  	[simem:s7], [sflag:s8] =	dma.local @!p0 [hbm:s6], $0xF7A  }
0x23: {  	s9 =	sor.u32 $0xD0000000, s2;
	s6 =	simm.s32 $0x108;
	_ =	swait.ge @!p0 [sflag:s8], $0x0  }
0x24: {  	s3 =	sadd.s32 $0x88, s3;
	s6 =	simm.s32 @!p1 $0x1082;
	[sflag:s4] =	ssyncset.s32 $0xFFFFF086  }
0x25: {  	[simem:s6], [sflag:s4] =	dma.local [hbm:s3], $0xF7A  }
0x26: {  	[smem:$0x3F9D] =	sst s1;
	(tag) =	ssettag s2;
	_ =	strace s9  }
0x27: {  	s1 =	sld [smem:$0x3FAD]  }
0x28: {  	s2 =	sld [smem:$0x3FAE]  }
0x29: {  	s4 =	sld [smem:$0x3FB0]  }
0x2a: {  	p0 =	seq.s32 s5, $0x0;
	s5 =	sld [smem:$0x3FB1]  }
0x2b: {  	s6 =	sld [smem:$0x3FB2]  }
0x2c: {  	s7 =	sld [smem:$0x3FB3]  }
0x2d: {  	s3 =	simm.s32 $0x108;
	s8 =	sld [smem:$0x3FB4]  }
0x2e: {  	s3 =	simm.s32 @!p0 $0x1082;
	s9 =	sld [smem:$0x3FB5]  }
0x2f: {  	lr =	sadd.s32 s0, s3;
	s0 =	sld [smem:$0x3FAC]  }
0x30: {  	s3 =	sld [smem:$0x3FAF]  }
0x31: {  	[smem:$0x3FB8] =	sst s10  }
0x32: {  	s10 =	sld [smem:$0x3FB6];
	_ =	sdelay $0x3  }
0x33: {  	p0 =	seq.s32 s10, $0x1;
	s10 =	sld [smem:$0x3FB8];
	_ =	sdelay $0x3  }
0x34: {  	[smem:$0x3FB8] =	sst s10  }
0x35: {  	s10 =	sld [smem:$0x3FB7];
	_ =	sdelay $0x3  }
0x36: {  	p1 =	seq.s32 s10, $0x1;
	s10 =	sld [smem:$0x3FB8];
	_ =	sdelay $0x3  }
0x37: {  	[smem:$0x3FB8] =	sst s10  }
0x38: {  	s10 =	sld [smem:$0x3FB9]  }
0x39: {  	_ = 	snop;
	(pc) =	sbr.ind lr, $3  }
0x3a: {  	_ = 	snop  }
0x3b: {  	_ = 	snop  }
0x3c: {  	p2 =	seq.s32 s10, $0x1;
	s10 =	sld [smem:$0x3FB8]  }
0x3d: {  	_ =	shalt  }
0x3e: {  	_ =	shalt  }
0x3f: {  	_ =	shalt  }
0x40: {  	_ =	shalt  }
0x41: {  	_ =	shalt  }
0x42: {  	_ =	shalt  }
0x43: {  	_ =	shalt  }
0x44: {  	_ =	shalt  }
0x45: {  	_ =	shalt  }
0x46: {  	_ =	shalt  }
0x47: {  	_ =	shalt  }
0x48: {  	_ =	shalt  }
0x49: {  	_ =	shalt  }
0x4a: {  	_ =	shalt  }
0x4b: {  	_ =	shalt  }
0x4c: {  	_ =	shalt  }
0x4d: {  	_ =	shalt  }
0x4e: {  	_ =	shalt  }
0x4f: {  	_ =	shalt  }
0x50: {  	_ =	shalt  }
0x51: {  	_ =	shalt  }
0x52: {  	_ =	shalt  }
0x53: {  	_ =	shalt  }
0x54: {  	_ =	shalt  }
0x55: {  	_ =	shalt  }
0x56: {  	_ =	shalt  }
0x57: {  	_ =	shalt  }
0x58: {  	_ =	shalt  }
0x59: {  	_ =	shalt  }
0x5a: {  	_ =	shalt  }
0x5b: {  	_ =	shalt  }
0x5c: {  	_ =	shalt  }
0x5d: {  	_ =	shalt  }
0x5e: {  	_ =	shalt  }
0x5f: {  	_ =	shalt  }
0x60: {  	_ =	shalt  }
0x61: {  	_ =	shalt  }
0x62: {  	_ =	shalt  }
0x63: {  	_ =	shalt  }
0x64: {  	_ =	shalt  }
0x65: {  	_ =	shalt  }
0x66: {  	_ =	shalt  }
0x67: {  	_ =	shalt  }
0x68: {  	_ =	shalt  }
0x69: {  	_ =	shalt  }
0x6a: {  	_ =	shalt  }
0x6b: {  	_ =	shalt  }
0x6c: {  	_ =	shalt  }
0x6d: {  	_ =	shalt  }
0x6e: {  	_ =	shalt  }
0x6f: {  	_ =	shalt  }
0x70: {  	_ =	shalt  }
0x71: {  	_ =	shalt  }
0x72: {  	_ =	shalt  }
0x73: {  	_ =	shalt  }
0x74: {  	_ =	shalt  }
0x75: {  	_ =	shalt  }
0x76: {  	_ =	shalt  }
0x77: {  	_ =	shalt  }
0x78: {  	_ =	shalt  }
0x79: {  	_ =	shalt  }
0x7a: {  	_ =	shalt  }
0x7b: {  	_ =	shalt  }
0x7c: {  	_ =	shalt  }
0x7d: {  	_ =	shalt  }
0x7e: {  	_ =	shalt  }
0x7f: {  	_ =	shalt  }
0x80: {  	_ =	shalt  }
0x81: {  	_ =	shalt  }
0x82: {  	_ =	shalt  }
0x83: {  	_ =	shalt  }
0x84: {  	_ =	shalt  }
0x85: {  	_ =	shalt  }
0x86: {  	_ =	shalt  }
0x87: {  	_ =	shalt  }
.Lfunc_end0:
.L_simem_size_0:
called_computation_lowered:
.L_overlay_start_0:
0x88: {  	s0 =	sld [smem:$0x3FD9]  }
0x89: {  	s1 =	sld [smem:$0x3FFE];
	_ =	sdelay $0x3  }
0x8a: {  	s0 =	sadd.s32 s1, s0  }
0x8b: {  	[smem:$0x3FC4] =	sst s0  }
0x8c: {  	_ = 	snop  }
0x8d: {  	s0 =	sld [smem:$0x3FD0];
	(tm) =	ssettm $0x1  }
0x8e: {  	s16 =	sld [smem:$0x3FFB];
	_ =	sdelay $0x3  }
0x8f: {  	_ =	strace s16  }
0x90: {  	s1 =	sld [smem:$0x3FFC];
	_ =	sdelay $0x3  }
0x91: {  	_ =	strace s1  }
0x92: {  	s1 =	sld [smem:$0x3FFD];
	_ =	sdelay $0x3  }
0x93: {  	_ =	strace s1  }
0x94: {  	_ =	strace $0x8FFFFFFF  }
0x95: {  	s17 =	sld [smem:$0x3FDB];
	_ =	sdelay $0x1  }
0x96: {  	s2 =	simm.s32 $_scs_section_size  }
0x97: {  	s3 =	simm.s32 $_size__tile_overlayer_lowered;
	s4 =	simm.s32 $_tile_overlayer_lowered  }
0x98: {  	s20 =	simm.s32 $0x1BFF;
	s19 =	sshll.u32 s4, $0x1;
	s1 =	sadd.s32 s2, s17  }
0x99: {  	s5 =	simm.s32 $0x0;
	s18 =	sshll.u32 s3, $0x1;
	s3 =	sadd.s32 s19, s1  }
0x9a: {  	[timem:s5], [sflag:s20] =	dma.local [hbm:s3], s18  }
0x9b: {  	_ =	swait.ge [sflag:s20], s18  }
0x9c: {  	s2 =	ssub.s32 $0x0, s18;
	[sflag:s20] =	ssyncset.done $0x0  }
0x9d: {  	[sflag:s20] =	ssyncadd.s32 s2;
	_ =	sdelay $0x1  }
0x9e: {  	s21 =	simm.s32 $0x1B8B  }
0x9f: {  	_ =	swait.ge [sflag:s21], $0x1  }
0xa0: {  	[sflag:s21] =	ssyncset.done $0x0  }
0xa1: {  	s23 =	simm.s32 $0x1B8E;
	s22 =	sld [smem:$0x3FFE];
	[sflag:s21] =	ssyncadd.s32 $0xFFFFFFFF  }
0xa2: {  	s24 =	simm.s32 $execute0_lowered;
	[smem:$0x3FD2] =	sst s23  }
0xa3: {  	s3 =	sshll.u32 s24, $0x1;
	_ =	strace $0x80000046;
	[dreg:$0x1] =	wrdreg $0xFFFFFFFF  }
0xa4: {  	s25 =	simm.s32 $_size_execute0_lowered;
	s1 =	sadd.s32 s1, s3;
	[dreg:$0x0] =	wrdreg $0x0  }
0xa5: {  	s3 =	sshll.u32 s25, $0x1;
	[dreg:$0x2] =	wrdreg s1  }
0xa6: {  	[dreg:$0x3] =	wrdreg s3  }
0xa7: {  	[dreg:$0x4] =	wrdreg $0xC0  }
0xa8: {  	_ =	task [dreg:s5], $0x5FFFF  }
0xa9: {  	[dreg:$0x1] =	wrdreg $0xFFFFFFFF  }
0xaa: {  	[dreg:$0x0] =	wrdreg $0x60  }
0xab: {  	[dreg:$0x2] =	wrdreg s0  }
0xac: {  	[dreg:$0x3] =	wrdreg s22  }
0xad: {  	[dreg:$0x4] =	wrdreg $0x9  }
0xae: {  	_ =	task.clear_ibuf [dreg:s5], $0x5FFFF;
	_ =	strace $0x90000046  }
0xaf: {  	s26 =	simm.s32 $0x9;
	_ =	strace $0x80000048  }
0xb0: {  	_ =	swait.ge [sflag:s26], $0x1  }
0xb1: {  	[sflag:s26] =	ssyncadd.s32 $0xFFFFFFFF  }
0xb2: {  	_ =	strace $0x90000048  }
0xb3: {  	_ =	sfence  }
0xb4: {  	s28 =	sld [smem:$0x0];
	_ =	sdelay $0x1  }
0xb5: {  	s29 =	srdreg.scid  }
0xb6: {  	s30 =	sshll.u32 s29, $0xD;
	s31 =	sshrl.u32 s29, $0x2  }
0xb7: {  	s2 =	sand.u32 $0x4000, s30;
	s1 =	sand.u32 $0x1, s29;
	s0 =	sadd.s32 s31, s28  }
0xb8: {  	s1 =	sor.u32 s2, s1;
	s0 =	sshll.u32 s0, $0x11  }
0xb9: {  	s0 =	sor.u32 s0, s1  }
0xba: {  	s0 =	sadd.s32 $0x8F2B, s0  }
0xbb: {  	[sflag:s0] =	ssyncadd.remote.s32 $0x1  }
0xbc: {  	_ =	sfence.sel $0xFFFF  }
0xbd: {  	[dreg:$0x0] =	wrdreg $0xFFFFFFFF;
	(pc) =	sbr.abs _section_cstart, $3  }
0xbe: {  	[dreg:$0x1] =	wrdreg $0xFFFFFFFF  }
0xbf: {  	_ =	task.clear_ibuf [dreg:s5], $0x2FFFF;
	_ =	strace $0x9FFFFFFF  }
0xc0: {  	(tm) =	ssettm $0x7FFFFFFF  }
0xc1: {  	_ =	shalt  }
tec
execute0_lowered:
.L_overlay_start_1:
0x0: {  	(tag) =	ssettag $0x1  }
0x1: {  	s2 =	rddreg [dreg:$0x0]  }
0x2: {  	s3 =	rddreg [dreg:$0x1];
	s1 =	stileid.u32  }
0x3: {  	s0 =	rddreg [dreg:$0x2];
	s4 =	simm.s32 $0x0;
	s5 =	sshll.u32 s1, $0xA  }
0x4: {  	[smem:$0x7FF] =	sst s4;
	s30 =	sshrl.u32 s1, $0x1;
	s5 =	sand.u32 $0x400, s5  }
0x5: {  	_ =	strace $0x80000047;
	s6 =	sshll.u32 s30, $0x8;
	p0 =	seq.s32 s5, $0x0  }
0x6: {  	s7 =	sadd.s32 @p0 s2, s6;
	s8 =	simm.s32 @p0 $0x0;
	s9 =	simm.s32 @p0 $0x18  }
0x7: {  	[tilespmem:s9], [sflag:$0x2] =	stream.linear.gather @p0 [hbm4b:s7+s8], $0x400, $0x38;
	[tilespmem:$0x1080] =	vst v63  }
0x8: {  	s4 =	sshll.u32 s30, $0xB;
	s7 =	simm.s32 @p0 $0x2  }
0x9: {  	s4 =	sor.u32 s5, s4;
	_ =	swait.ge @p0 [sflag:s7], $0x400  }
0xa: {  	s5 =	sadd.s32 @!p0 $0xFFFFFFE8, s4;
	[sflag:s7] =	ssyncset.done @p0 $0x0  }
0xb: {  	v0 =	vimm.s32 @p0 $0xFFFFFFFF;
	s5 =	sshrl.u32 @!p0 s5, $0x3;
	[sflag:s7] =	ssyncadd.s32 @p0 $0xFFFFFC00  }
0xc: {  	s2 =	sadd.s32 @!p0 s2, s5;
	s5 =	simm.s32 @!p0 $0x0;
	[tilespmem:$0x8] =	vst @p0 v0  }
0xd: {  	[tilespmem:s5], [sflag:$0x2] =	stream.linear.gather @!p0 [hbm4b:s2+s5], $0x418, $0x38;
	[tilespmem:$0x1080] =	vst v63  }
0xe: {  	s2 =	simm.s32 @!p0 $0x2  }
0xf: {  	_ =	swait.ge @!p0 [sflag:s2], $0x418  }
0x10: {  	s4 =	sshrl.u32 s4, $0x3;
	[sflag:s2] =	ssyncset.done @!p0 $0x0  }
0x11: {  	s31 =	sadd.s32 s4, s3;
	s4 =	simm.s32 $0x0;
	[sflag:s2] =	ssyncadd.s32 @!p0 $0xFFFFFBE8  }
0x12: {  	s3 =	sadd.s32 $0xA00, s3;
	v0 =	vmov s6;
	s5 =	simm.s32 $0x40;
	s2 =	sadd.s32 $0xC00, s31;
	v1 =	vld [tilespmem:s4+$0x18]  }
.LBB2_1:
0x13: {  	p0 =	sne.s32 s5, $0xFC0  }
.Ltmp0:
0x14: {  	_ = 	snop;
	(pc) =	sbr.rel @p0 .LBB2_1-.Ltmp0, $3  }
0x15: {  	_ =	sdelay $0x1  }
0x16: {  	s6 =	sshra.s32 s5, $0x2;
	s5 =	sadd.s32 $0x40, s5;
	v2 =	vadd.s32 v0, v1  }
0x17: {  	v1 =	vld [tilespmem:s6+$0x18];
	[tilespmem:s4+$0x480] =	vst v2;
	s4 =	smov.u32 s6  }
0x18: {  	_ =	sdelay $0x3  }
0x19: {  	v0 =	vadd.s32 v0, v1  }
0x1a: {  	s16 =	simm.s32 $0x80;
	s5 =	simm.s32 $0x480;
	s6 =	simm.s32 $0x880;
	[tilespmem:s4+$0x480] =	vst v0  }
0x1b: {  	[tilespmem:s6], [sflag:$0x1] =	stream.indirect.gather [hbm4b:s3+s16], $0x1, s5, s16, $0xb8;
	[tilespmem:$0x1080] =	vst v63  }
0x1c: {  	s17 =	simm.s32 $0x500;
	s18 =	simm.s32 $0x900  }
0x1d: {  	[tilespmem:s18], [sflag:$0x1] =	stream.indirect.gather [hbm4b:s3+s16], $0x1, s17, s16, $0xb8;
	[tilespmem:$0x1080] =	vst v63  }
0x1e: {  	s19 =	simm.s32 $0x580;
	s20 =	simm.s32 $0x980  }
0x1f: {  	[tilespmem:s20], [sflag:$0x1] =	stream.indirect.gather [hbm4b:s3+s16], $0x1, s19, s16, $0xb8;
	[tilespmem:$0x1080] =	vst v63  }
0x20: {  	s21 =	simm.s32 $0x600;
	s22 =	simm.s32 $0xA00  }
0x21: {  	[tilespmem:s22], [sflag:$0x1] =	stream.indirect.gather [hbm4b:s3+s16], $0x1, s21, s16, $0xb8;
	[tilespmem:$0x1080] =	vst v63  }
0x22: {  	s23 =	simm.s32 $0x680;
	s24 =	simm.s32 $0xA80  }
0x23: {  	[tilespmem:s24], [sflag:$0x1] =	stream.indirect.gather [hbm4b:s3+s16], $0x1, s23, s16, $0xb8;
	[tilespmem:$0x1080] =	vst v63  }
0x24: {  	s25 =	simm.s32 $0x700;
	s26 =	simm.s32 $0xB00  }
0x25: {  	[tilespmem:s26], [sflag:$0x1] =	stream.indirect.gather [hbm4b:s3+s16], $0x1, s25, s16, $0xb8;
	[tilespmem:$0x1080] =	vst v63  }
0x26: {  	s28 =	simm.s32 $0x780;
	s29 =	simm.s32 $0xB80  }
0x27: {  	[tilespmem:s29], [sflag:$0x1] =	stream.indirect.gather [hbm4b:s3+s16], $0x1, s28, s16, $0xb8;
	[tilespmem:$0x1080] =	vst v63  }
0x28: {  	s30 =	simm.s32 $0x800;
	s31 =	simm.s32 $0xC00  }
0x29: {  	[tilespmem:s31], [sflag:$0x1] =	stream.indirect.gather [hbm4b:s3+s16], $0x1, s30, s16, $0xb8;
	[tilespmem:$0x1080] =	vst v63  }
0x2a: {  	s3 =	simm.s32 $0x0  }
0x2b: {  	v2 =	vld [tilespmem:s3+$0x18]  }
0x2c: {  	v3 =	vld [tilespmem:s3+$0x17]  }
0x2d: {  	v4 =	vld [tilespmem:s3+$0x16]  }
0x2e: {  	v5 =	vld [tilespmem:s3+$0x15]  }
0x2f: {  	v6 =	vld [tilespmem:s3+$0x14]  }
0x30: {  	v7 =	vld [tilespmem:s3+$0x13]  }
0x31: {  	v1 =	vimm.s32 $0xE;
	v8 =	vld [tilespmem:s3+$0x12]  }
0x32: {  	v0 =	vimm.s32 $0x0;
	vm0 =	veq.s32 v3, v2;
	vm1 =	vne.s32 v4, v2;
	v3 =	vld [tilespmem:s3+$0x11]  }
0x33: {  	v4 =	vsel vm0, $0xF, v1;
	v9 =	vsel vm1, $0xFFFFFFFF, v0;
	vm0 =	vne.s32 v5, v2;
	v5 =	vld [tilespmem:s3+$0x10]  }
0x34: {  	v4 =	vadd.s32 v9, v4;
	v9 =	vsel vm0, $0xFFFFFFFF, v0;
	vm0 =	vne.s32 v6, v2;
	v6 =	vld [tilespmem:s3+$0xF]  }
0x35: {  	v4 =	vadd.s32 v9, v4;
	v9 =	vsel vm0, $0xFFFFFFFF, v0;
	vm0 =	vne.s32 v7, v2;
	v7 =	vld [tilespmem:s3+$0xE]  }
0x36: {  	v4 =	vadd.s32 v9, v4;
	v9 =	vsel vm0, $0xFFFFFFFF, v0;
	vm0 =	vne.s32 v8, v2;
	v8 =	vld [tilespmem:s3+$0xD]  }
0x37: {  	v10 =	vld [tilespmem:s3+$0xC];
	v4 =	vadd.s32 v9, v4;
	v9 =	vsel vm0, $0xFFFFFFFF, v0;
	vm0 =	vne.s32 v3, v2  }
0x38: {  	v3 =	vadd.s32 v9, v4;
	v4 =	vsel vm0, $0xFFFFFFFF, v0;
	vm0 =	vne.s32 v5, v2;
	v5 =	vld [tilespmem:s3+$0xB]  }
0x39: {  	v3 =	vadd.s32 v4, v3;
	v4 =	vsel vm0, $0xFFFFFFFF, v0;
	vm0 =	vne.s32 v6, v2;
	v6 =	vld [tilespmem:s3+$0xA]  }
0x3a: {  	s4 =	simm.s32 $0x10;
	v4 =	vadd.s32 v4, v3;
	v9 =	vsel vm0, $0xFFFFFFFF, v0;
	vm0 =	vne.s32 v7, v2;
	v7 =	vld [tilespmem:s3+$0x9]  }
0x3b: {  	v3 =	vld [tilespmem:s4+$0x18];
	v9 =	vadd.s32 v9, v4;
	v11 =	vsel vm0, $0xFFFFFFFF, v0;
	vm0 =	vne.s32 v8, v2  }
0x3c: {  	s5 =	simm.s32 $0x80;
	v4 =	vld [tilespmem:s4+$0x17];
	v8 =	vadd.s32 v11, v9;
	v9 =	vsel vm0, $0xFFFFFFFF, v0;
	vm0 =	vne.s32 v10, v2  }
.LBB2_3:
0x3d: {  	p0 =	sne.s32 s5, $0xFC0;
	v10 =	vld [tilespmem:s4+$0x16];
	v8 =	vadd.s32 v9, v8;
	v9 =	vsel vm0, $0xFFFFFFFF, v0;
	vm0 =	vne.s32 v5, v2  }
0x3e: {  	v5 =	vld [tilespmem:s4+$0x15];
	v8 =	vadd.s32 v9, v8;
	v9 =	vsel vm0, $0xFFFFFFFF, v0;
	vm0 =	vne.s32 v6, v2  }
0x3f: {  	v6 =	vld [tilespmem:s4+$0x14];
	v8 =	vadd.s32 v9, v8;
	v9 =	vsel vm0, $0xFFFFFFFF, v0;
	vm0 =	vne.s32 v7, v2  }
0x40: {  	v7 =	vld [tilespmem:s4+$0x13];
	v8 =	vadd.s32 v9, v8;
	v9 =	vsel vm0, $0xFFFFFFFF, v0;
	v2 =	vmov v3  }
0x41: {  	v3 =	vld [tilespmem:s4+$0x12];
	v8 =	vadd.s32 v9, v8  }
0x42: {  	vm0 =	veq.s32 v4, v2;
	vm1 =	vne.s32 v10, v2;
	v4 =	vld [tilespmem:s4+$0x11];
	[tilespmem:s3+$0xC80] =	vst v8;
	s3 =	smov.u32 s4  }
0x43: {  	v8 =	vsel vm0, $0xF, v1;
	v9 =	vsel vm1, $0xFFFFFFFF, v0;
	vm0 =	vne.s32 v5, v2;
	v5 =	vld [tilespmem:s3+$0x10]  }
0x44: {  	v8 =	vadd.s32 v9, v8;
	v9 =	vsel vm0, $0xFFFFFFFF, v0;
	vm0 =	vne.s32 v6, v2;
	v6 =	vld [tilespmem:s3+$0xF]  }
0x45: {  	v8 =	vadd.s32 v9, v8;
	v9 =	vsel vm0, $0xFFFFFFFF, v0;
	vm0 =	vne.s32 v7, v2;
	v7 =	vld [tilespmem:s3+$0xE]  }
0x46: {  	v8 =	vadd.s32 v9, v8;
	v9 =	vsel vm0, $0xFFFFFFFF, v0;
	vm0 =	vne.s32 v3, v2;
	v10 =	vld [tilespmem:s3+$0xD]  }
0x47: {  	v3 =	vadd.s32 v9, v8;
	v8 =	vsel vm0, $0xFFFFFFFF, v0;
	vm0 =	vne.s32 v4, v2;
	v11 =	vld [tilespmem:s3+$0xC]  }
.Ltmp1:
0x48: {  	v3 =	vadd.s32 v8, v3;
	v4 =	vsel vm0, $0xFFFFFFFF, v0;
	vm0 =	vne.s32 v5, v2;
	v5 =	vld [tilespmem:s3+$0xB];
	(pc) =	sbr.rel @p0 .LBB2_3-.Ltmp1, $4  }
0x49: {  	v3 =	vadd.s32 v4, v3;
	v4 =	vsel vm0, $0xFFFFFFFF, v0;
	vm0 =	vne.s32 v6, v2;
	v6 =	vld [tilespmem:s3+$0xA]  }
0x4a: {  	s4 =	sshra.s32 s5, $0x2;
	v4 =	vadd.s32 v4, v3;
	v8 =	vsel vm0, $0xFFFFFFFF, v0;
	vm0 =	vne.s32 v7, v2;
	v7 =	vld [tilespmem:s3+$0x9]  }
0x4b: {  	v3 =	vld [tilespmem:s4+$0x18];
	v8 =	vadd.s32 v8, v4;
	v9 =	vsel vm0, $0xFFFFFFFF, v0;
	vm0 =	vne.s32 v10, v2  }
0x4c: {  	s5 =	sadd.s32 $0x40, s5;
	v4 =	vld [tilespmem:s4+$0x17];
	v8 =	vadd.s32 v9, v8;
	v9 =	vsel vm0, $0xFFFFFFFF, v0;
	vm0 =	vne.s32 v11, v2  }
0x4d: {  	v10 =	vld [tilespmem:s4+$0x16];
	v8 =	vadd.s32 v9, v8;
	v37 =	vsel vm0, $0xFFFFFFFF, v0;
	vm11 =	vne.s32 v5, v2  }
0x4e: {  	v38 =	vld [tilespmem:s4+$0x15];
	v8 =	vadd.s32 v37, v8;
	v39 =	vsel vm11, $0xFFFFFFFF, v0;
	vm12 =	vne.s32 v6, v2  }
0x4f: {  	v40 =	vld [tilespmem:s4+$0x14];
	v8 =	vadd.s32 v39, v8;
	v41 =	vsel vm12, $0xFFFFFFFF, v0;
	vm13 =	vne.s32 v7, v2  }
0x50: {  	v2 =	vld [tilespmem:s4+$0x13];
	v42 =	vadd.s32 v41, v8;
	v43 =	vsel vm13, $0xFFFFFFFF, v0  }
0x51: {  	v44 =	vld [tilespmem:s4+$0x12];
	v7 =	vadd.s32 v43, v42  }
0x52: {  	v45 =	vld [tilespmem:s4+$0x11];
	vm14 =	veq.s32 v4, v3;
	vm1 =	vne.s32 v10, v3;
	[tilespmem:s3+$0xC80] =	vst v7  }
0x53: {  	v1 =	vsel vm14, $0xF, v1;
	vm15 =	vne.s32 v38, v3;
	v46 =	vsel vm1, $0xFFFFFFFF, v0;
	v47 =	vld [tilespmem:s4+$0x10]  }
0x54: {  	vm4 =	vne.s32 v40, v3;
	v48 =	vsel vm15, $0xFFFFFFFF, v0;
	v49 =	vld [tilespmem:s4+$0xF];
	v1 =	vadd.s32 v46, v1  }
0x55: {  	v50 =	vsel vm4, $0xFFFFFFFF, v0;
	vm5 =	vne.s32 v2, v3;
	v2 =	vld [tilespmem:s4+$0xE];
	v1 =	vadd.s32 v48, v1  }
0x56: {  	vm6 =	vne.s32 v44, v3;
	v7 =	vld [tilespmem:s4+$0xD];
	v51 =	vsel vm5, $0xFFFFFFFF, v0;
	v1 =	vadd.s32 v50, v1  }
0x57: {  	vm7 =	vne.s32 v45, v3;
	v52 =	vsel vm6, $0xFFFFFFFF, v0;
	v53 =	vld [tilespmem:s4+$0xC];
	v1 =	vadd.s32 v51, v1  }
0x58: {  	v54 =	vsel vm7, $0xFFFFFFFF, v0;
	v55 =	vld [tilespmem:s4+$0xB];
	v1 =	vadd.s32 v52, v1;
	vm8 =	vne.s32 v47, v3  }
0x59: {  	v57 =	vld [tilespmem:s4+$0xA];
	vm9 =	vne.s32 v49, v3;
	v1 =	vadd.s32 v54, v1;
	v56 =	vsel vm8, $0xFFFFFFFF, v0  }
0x5a: {  	v58 =	vsel vm9, $0xFFFFFFFF, v0;
	vm10 =	vne.s32 v2, v3;
	v2 =	vld [tilespmem:s4+$0x9];
	v1 =	vadd.s32 v56, v1  }
0x5b: {  	vm11 =	vne.s32 v7, v3;
	v59 =	vsel vm10, $0xFFFFFFFF, v0;
	v1 =	vadd.s32 v58, v1  }
0x5c: {  	vm12 =	vne.s32 v53, v3;
	v60 =	vsel vm11, $0xFFFFFFFF, v0;
	v1 =	vadd.s32 v59, v1  }
0x5d: {  	vm13 =	vne.s32 v55, v3;
	v61 =	vsel vm12, $0xFFFFFFFF, v0;
	v1 =	vadd.s32 v60, v1  }
0x5e: {  	vm14 =	vne.s32 v57, v3;
	v62 =	vsel vm13, $0xFFFFFFFF, v0;
	v1 =	vadd.s32 v61, v1  }
0x5f: {  	v63 =	vsel vm14, $0xFFFFFFFF, v0;
	vm15 =	vne.s32 v2, v3;
	v1 =	vadd.s32 v62, v1  }
0x60: {  	v0 =	vsel vm15, $0xFFFFFFFF, v0;
	v1 =	vadd.s32 v63, v1  }
0x61: {  	v0 =	vadd.s32 v0, v1  }
0x62: {  	s31 =	simm.s32 $0x1;
	[tilespmem:s4+$0xC80] =	vst v0  }
0x63: {  	_ =	swait.ge [sflag:s31], $0x80  }
0x64: {  	[sflag:s31] =	ssyncset.done $0x0  }
0x65: {  	[sflag:s31] =	ssyncadd.s32 $0xFFFFFF80  }
0x66: {  	_ =	swait.ge [sflag:s31], $0x80  }
0x67: {  	[sflag:s31] =	ssyncset.done $0x0  }
0x68: {  	[sflag:s31] =	ssyncadd.s32 $0xFFFFFF80  }
0x69: {  	_ =	swait.ge [sflag:s31], $0x80  }
0x6a: {  	[sflag:s31] =	ssyncset.done $0x0  }
0x6b: {  	[sflag:s31] =	ssyncadd.s32 $0xFFFFFF80  }
0x6c: {  	_ =	swait.ge [sflag:s31], $0x80  }
0x6d: {  	[sflag:s31] =	ssyncset.done $0x0  }
0x6e: {  	[sflag:s31] =	ssyncadd.s32 $0xFFFFFF80  }
0x6f: {  	_ =	swait.ge [sflag:s31], $0x80  }
0x70: {  	[sflag:s31] =	ssyncset.done $0x0  }
0x71: {  	[sflag:s31] =	ssyncadd.s32 $0xFFFFFF80  }
0x72: {  	_ =	swait.ge [sflag:s31], $0x80  }
0x73: {  	[sflag:s31] =	ssyncset.done $0x0  }
0x74: {  	[sflag:s31] =	ssyncadd.s32 $0xFFFFFF80  }
0x75: {  	_ =	swait.ge [sflag:s31], $0x80  }
0x76: {  	[sflag:s31] =	ssyncset.done $0x0  }
0x77: {  	[sflag:s31] =	ssyncadd.s32 $0xFFFFFF80  }
0x78: {  	_ =	swait.ge [sflag:s31], $0x80  }
0x79: {  	[sflag:s31] =	ssyncset.done $0x0  }
0x7a: {  	s3 =	simm.s32 $0x0;
	[sflag:s31] =	ssyncadd.s32 $0xFFFFFF80  }
0x7b: {  	s4 =	simm.s32 $0x40;
	v0 =	vld [tilespmem:s3+$0x880]  }
.LBB2_5:
0x7c: {  	p0 =	sne.s32 s4, $0xFC0;
	v1 =	vld [tilespmem:s3+$0xC80];
	_ =	sdelay $0x2  }
.Ltmp2:
0x7d: {  	(pc) =	sbr.rel @p0 .LBB2_5-.Ltmp2, $4  }
0x7e: {  	_ = 	snop  }
0x7f: {  	vm0 =	vlt.s32 v1, v0  }
0x80: {  	s5 =	sshra.s32 s4, $0x2;
	v1 =	vsel vm0, v1, v0  }
0x81: {  	s4 =	sadd.s32 $0x40, s4;
	v0 =	vld [tilespmem:s5+$0x880];
	[tilespmem:s3+$0xC80] =	vst v1;
	s3 =	smov.u32 s5  }
0x82: {  	v1 =	vld [tilespmem:s3+$0xC80];
	_ =	sdelay $0x4  }
0x83: {  	vm0 =	vlt.s32 v1, v0  }
0x84: {  	v0 =	vsel vm0, v1, v0  }
0x85: {  	s30 =	simm.s32 $0x0;
	s4 =	simm.s32 $0xC80;
	s31 =	simm.s32 $0x2;
	[tilespmem:s3+$0xC80] =	vst v0  }
0x86: {  	[hbm4b:s2+s30] =	stream.linear.scatter [tilespmem:s4], [sflag:$0x2], $0x400, $0x38;
	[tilespmem:$0x1080] =	vst v63  }
0x87: {  	_ =	swait.ge [sflag:s31], $0x400  }
0x88: {  	[sflag:s31] =	ssyncset.done $0x0  }
0x89: {  	[sflag:s31] =	ssyncadd.s32 $0xFFFFFC00  }
0x8a: {  	_ =	sfence.sel $0x180000  }
0x8b: {  	[bflag:$0x0] =	sbarrier.arrive $0xFFFF  }
0x8c: {  	p0 =	sne.s32 s1, $0x0;
	_ =	strace $0x90000047  }
0x8d: {  	s0 =	sadd.s32 @!p0 $0x100000, s0;
	[bflag:$0x2] =	sbarrier.arrive $0xFFFF  }
0x8e: {  	[sflag:s0] =	ssyncadd.tile.s32 @!p0 $0x1;
	_ =	shalt  }
.Lfunc_end2:
_tile_overlayer_lowered:
.L_overlay_start_2:
0x8f: {  	(tag) =	ssettag $0x2  }
0x90: {  	s0 =	rddreg [dreg:$0x0];
	s2 =	stileid.u32  }
0x91: {  	s1 =	rddreg [dreg:$0x1];
	p0 =	sne.s32 s2, $0x0  }
0x92: {  	s3 =	rddreg [dreg:$0x2];
	[bflag:$0x3] =	sbarrier.arrive $0xFFFF;
	s2 =	simm.s32 @!p0 $0x1C02  }
0x93: {  	[timem:s3], [sflag:s2] =	dma.local @!p0 [hbm:s0], s1  }
0x94: {  	s0 =	simm.s32 @!p0 $0x2  }
0x95: {  	_ =	swait.ge @!p0 [sflag:s0], s1  }
0x96: {  	s1 =	ssub.s32 @!p0 $0x0, s1;
	[sflag:s0] =	ssyncset.done @!p0 $0x0  }
0x97: {  	[sflag:s0] =	ssyncadd.s32 @!p0 s1  }
0x98: {  	[bflag:$0x3] =	sbarrier.arrive $0xFFFF  }
0x99: {  	_ =	shalt  }

</sc_bundles>
